<compile_context>
chip_gen: v7x
topology: tpu7x:2x2x1
jax: 0.10.2.dev20260603
libtpu: 0.0.44.dev20260713+nightly
codegen_flags: <defaults>
</compile_context>

<pallas_src>
import functools

import jax
import jax.numpy as jnp
from jax import lax
from jax.experimental import pallas as pl
from jax.experimental.pallas import tpu as pltpu
from jax.experimental.pallas import tpu_sc as plsc

N = 10000
NPAD = 10240
M = 2500
MPAD = 2560
K = 16
IN_PLANES = 128
HIDDEN = 256
NUM_HEADS = 4
DH = HIDDEN // NUM_HEADS

_PREC = lax.Precision.HIGHEST


def _amax_fold(a, b):
    take_a = (a[0] > b[0]) | ((a[0] == b[0]) & (a[1] < b[1]))
    return tuple(jnp.where(take_a, ea, eb) for ea, eb in zip(a, b))


def _roll_lane(t, s):
    return tuple(pltpu.roll(e, s, 1) for e in t)


def _roll_sub(t, s):
    return tuple(pltpu.roll(e, s, 0) for e in t)


def _slice_mid(t, lo, hi):
    return tuple(e[:, lo:hi] for e in t)


def _fps_body(px_ref, py_ref, pz_ref, pt_ref, idx_ref):
    px = px_ref[...]
    py = py_ref[...]
    pz = pz_ref[...]
    iarr = (lax.broadcasted_iota(jnp.int32, (8, 1280), 0) * 1280
            + lax.broadcasted_iota(jnp.int32, (8, 1280), 1))
    dists0 = jnp.where(iarr < N, jnp.float32(1e10), jnp.float32(-1.0))
    idx_ref[0] = jnp.int32(0)
    row0 = pt_ref[0:1, :]
    qx0 = row0[0, 0]
    qy0 = row0[0, 1]
    qz0 = row0[0, 2]
    ones8 = jnp.ones((128, 8), jnp.float32)
    ninf = jnp.float32(-jnp.inf)

    def _lslc(t, lo, hi):
        return tuple(e[:, lo * 128:hi * 128] for e in t)

    def body(i, carry):
        dists, qx, qy, qz = carry
        dx = px - qx
        dy = py - qy
        dz = pz - qz
        d = dx * dx + dy * dy + dz * dz
        dists = jnp.minimum(dists, d)
        t = (dists, iarr, px, py, pz)
        t5 = _amax_fold(_lslc(t, 0, 5), _lslc(t, 5, 10))
        t2 = _amax_fold(_lslc(t5, 0, 2), _lslc(t5, 2, 4))
        t1 = _amax_fold(_lslc(t2, 0, 1), _lslc(t2, 1, 2))
        vf, ixf, xf, yf, zf = _amax_fold(t1, _lslc(t5, 4, 5))
        md = jnp.max(vf)
        m = vf == md
        mf = m.astype(jnp.float32)
        em = jnp.concatenate(
            [mf, mf * ixf.astype(jnp.float32), mf * xf, mf * yf, mf * zf],
            axis=0)
        s = jnp.dot(em, ones8, precision=_PREC,
                    preferred_element_type=jnp.float32)

        def _gsum(g):
            u = s[8 * g:8 * g + 4, 0:1] + s[8 * g + 4:8 * g + 8, 0:1]
            v = u[0:2] + u[2:4]
            w = v[0:1] + v[1:2]
            return w[0, 0]

        cnt = _gsum(0)

        def fast(_):
            return (_gsum(1).astype(jnp.int32), _gsum(2), _gsum(3),
                    _gsum(4))

        def slow(_):
            fi_s = jnp.min(jnp.where(m, ixf, jnp.int32(NPAD)))
            m2 = ixf == fi_s
            return (fi_s,
                    jnp.max(jnp.where(m2, xf, ninf)),
                    jnp.max(jnp.where(m2, yf, ninf)),
                    jnp.max(jnp.where(m2, zf, ninf)))

        fi, nqx, nqy, nqz = lax.cond(cnt < 1.5, fast, slow, None)
        idx_ref[i] = fi
        return dists, nqx, nqy, nqz

    lax.fori_loop(1, M, body, (dists0, qx0, qy0, qz0))


def _fps(px2, py2, pz2, ptab):
    return pl.pallas_call(
        _fps_body,
        out_shape=jax.ShapeDtypeStruct((M,), jnp.int32),
        in_specs=[
            pl.BlockSpec((8, 1280), lambda: (0, 0)),
            pl.BlockSpec((8, 1280), lambda: (0, 0)),
            pl.BlockSpec((8, 1280), lambda: (0, 0)),
            pl.BlockSpec((NPAD, 8), lambda: (0, 0)),
        ],
        out_specs=pl.BlockSpec(memory_space=pltpu.SMEM),
    )(px2, py2, pz2, ptab)


def _knn_body(idx_ref, pt_ref, p8_ref, o_ref, d_ref, q_ref):
    def gq(j, _):
        q_ref[pl.ds(j, 1), :] = pt_ref[pl.ds(idx_ref[j], 1), :]
        return 0

    lax.fori_loop(0, 128, gq, 0)
    qp = jnp.dot(q_ref[...], p8_ref[...], preferred_element_type=jnp.float32,
                 precision=_PREC)
    d_ref[...] = -2.0 * qp
    lane = lax.broadcasted_iota(jnp.int32, (128, NPAD), 1)
    for j in range(K):
        dcur = d_ref[...]
        mn = jnp.min(dcur, axis=1, keepdims=True)
        li = jnp.min(jnp.where(dcur == mn, lane, jnp.int32(NPAD)),
                     axis=1, keepdims=True)
        o_ref[:, j:j + 1] = li
        d_ref[...] = jnp.where(lane == li, jnp.float32(3e30), dcur)


def _knn(idx_pad, ptab, p8):
    return pl.pallas_call(
        _knn_body,
        grid=(MPAD // 128,),
        out_shape=jax.ShapeDtypeStruct((MPAD, K), jnp.int32),
        in_specs=[
            pl.BlockSpec((128,), lambda i: (i,), memory_space=pltpu.SMEM),
            pl.BlockSpec((NPAD, 8), lambda i: (0, 0)),
            pl.BlockSpec((8, NPAD), lambda i: (0, 0)),
        ],
        out_specs=pl.BlockSpec((128, K), lambda i: (i, 0)),
        scratch_shapes=[pltpu.VMEM((128, NPAD), jnp.float32),
                        pltpu.VMEM((128, 8), jnp.float32)],
    )(idx_pad, ptab, p8)


GB = 43008
BW = GB // 32
XB = 2560
XW = XB // 32
XCH = BW // 2


def _sc_gather(idx_all, xtab, pntab, xpptab):
    mesh = plsc.VectorSubcoreMesh(core_axis_name="c", subcore_axis_name="s")

    @functools.partial(
        pl.kernel,
        out_type=(
            jax.ShapeDtypeStruct((GB, IN_PLANES), jnp.float32),
            jax.ShapeDtypeStruct((GB, IN_PLANES), jnp.float32),
            jax.ShapeDtypeStruct((XB, IN_PLANES), jnp.float32),
        ),
        mesh=mesh,
        scratch_types=[
            pltpu.VMEM((BW,), jnp.int32),
            pltpu.VMEM((XW,), jnp.int32),
            pltpu.VMEM((XCH, IN_PLANES), jnp.float32),
            pltpu.SemaphoreType.DMA,
        ],
    )
    def run(idx_hbm, xt_hbm, pnt_hbm, xpp_hbm, xrows, pnrows, xpprows,
            idxv, idxs, buf, sem):
        wid = lax.axis_index("s") * 2 + lax.axis_index("c")
        base = wid * BW
        pltpu.sync_copy(idx_hbm.at[pl.ds(base, BW)], idxv)
        for c in range(2):
            ids = idxv.at[pl.ds(c * XCH, XCH)]
            dst = pl.ds(base + c * XCH, XCH)
            pltpu.async_copy(xt_hbm.at[ids], buf, sem).wait()
            pltpu.sync_copy(buf, xrows.at[dst])
            pltpu.async_copy(pnt_hbm.at[ids], buf, sem).wait()
            pltpu.sync_copy(buf, pnrows.at[dst])
        xb = wid * XW
        pltpu.sync_copy(idx_hbm.at[pl.ds(xb, XW)], idxs)
        pltpu.async_copy(xpp_hbm.at[idxs], buf.at[pl.ds(0, XW)], sem).wait()
        pltpu.sync_copy(buf.at[pl.ds(0, XW)], xpprows.at[pl.ds(xb, XW)])

    return run(idx_all, xtab, pntab, xpptab)


_ATC = (0.99997726, -0.33262347, 0.19354346,
        -0.11643287, 0.05265332, -0.01172120)


def _atan2pos(y, x):
    ax = jnp.abs(x)
    swap = y > ax
    num = jnp.where(swap, ax, y)
    den = jnp.where(swap, y, ax)
    z = num / (den + jnp.float32(1e-30))
    t = z * z
    s = jnp.float32(_ATC[5])
    for c in (_ATC[4], _ATC[3], _ATC[2], _ATC[1], _ATC[0]):
        s = s * t + jnp.float32(c)
    s = z * s
    s = jnp.where(swap, jnp.float32(jnp.pi / 2) - s, s)
    return jnp.where(x < 0, jnp.float32(jnp.pi) - s, s)


def _row(ref, r):
    return ref[r:r + 1, :]


def _angle_t(ax, ay, az, bx, by, bz):
    crx = ay * bz - az * by
    cry = az * bx - ax * bz
    crz = ax * by - ay * bx
    cn = jnp.sqrt(crx * crx + cry * cry + crz * crz)
    dt = ax * bx + ay * by + az * bz
    return _atan2pos(cn, dt)


def _tf_body(xq_ref, xg_ref, cpnt_ref, qpnt_ref, e_ref, s_ref,
             wq_ref, wk_ref, wv_ref, wp1_ref, bp1_ref, wp2_ref, bp2_ref,
             wo_ref, bo_ref, o_ref):
    GK = 2048
    cpx, cpy, cpz = _row(cpnt_ref, 0), _row(cpnt_ref, 1), _row(cpnt_ref, 2)
    cnx, cny, cnz = _row(cpnt_ref, 3), _row(cpnt_ref, 4), _row(cpnt_ref, 5)
    qpx, qpy, qpz = _row(qpnt_ref, 0), _row(qpnt_ref, 1), _row(qpnt_ref, 2)
    qnx, qny, qnz = _row(qpnt_ref, 3), _row(qpnt_ref, 4), _row(qpnt_ref, 5)
    dx = cpx - qpx
    dy = cpy - qpy
    dz = cpz - qpz
    nd = jnp.sqrt(dx * dx + dy * dy + dz * dz)
    a1 = _angle_t(qnx, qny, qnz, dx, dy, dz)
    a2 = _angle_t(cnx, cny, cnz, dx, dy, dz)
    a3 = _angle_t(qnx, qny, qnz, cnx, cny, cnz)
    zero4 = jnp.zeros((4, GK), jnp.float32)
    ppf_t = jnp.concatenate([a1, a2, a3, nd, zero4], axis=0)

    pe1 = lax.dot_general(ppf_t, wp1_ref[...], (((0,), (0,)), ((), ())),
                          precision=_PREC,
                          preferred_element_type=jnp.float32)
    pe1 = jnp.maximum(pe1 + bp1_ref[...], 0.0)
    pe = jnp.dot(pe1, wp2_ref[...], precision=_PREC,
                 preferred_element_type=jnp.float32) + bp2_ref[...]

    xg = xg_ref[...]
    q = jnp.dot(xq_ref[...], wq_ref[...], precision=_PREC,
                preferred_element_type=jnp.float32)
    k = jnp.dot(xg, wk_ref[...], precision=_PREC,
                preferred_element_type=jnp.float32)
    v = jnp.dot(xg, wv_ref[...], precision=_PREC,
                preferred_element_type=jnp.float32)
    kpe = k + pe
    vpe = v + pe
    qb = jnp.dot(e_ref[...], q, precision=_PREC,
                 preferred_element_type=jnp.float32)
    lg = jnp.dot(qb * kpe, s_ref[...], precision=_PREC,
                 preferred_element_type=jnp.float32) * jnp.float32(0.125)
    lg3 = lg.reshape(128, K, NUM_HEADS)
    mx = jnp.max(lg3, axis=1, keepdims=True)
    ex = jnp.exp(lg3 - mx)
    sm = jnp.sum(ex, axis=1, keepdims=True)
    attn = (ex / sm).reshape(GK, NUM_HEADS)
    attn_exp = lax.dot_general(attn, s_ref[...], (((1,), (1,)), ((), ())),
                               precision=_PREC,
                               preferred_element_type=jnp.float32)
    opre = attn_exp * vpe
    osum = jnp.sum(opre.reshape(128, K, HIDDEN), axis=1)
    o_ref[...] = jnp.dot(osum, wo_ref[...], precision=_PREC,
                         preferred_element_type=jnp.float32) + bo_ref[...]


def _transformer(xq, xg, cpnt, qpnt, emat, smat, Wq, Wk, Wv, Wp1p, bp1,
                 Wp2, bp2, Wo, bo):
    nb = MPAD // 128
    full = lambda shape: pl.BlockSpec(shape, lambda i: (0, 0))
    return pl.pallas_call(
        _tf_body,
        grid=(nb,),
        out_shape=jax.ShapeDtypeStruct((MPAD, HIDDEN), jnp.float32),
        in_specs=[
            pl.BlockSpec((128, IN_PLANES), lambda i: (i, 0)),
            pl.BlockSpec((2048, IN_PLANES), lambda i: (i, 0)),
            pl.BlockSpec((16, 2048), lambda i: (0, i)),
            pl.BlockSpec((16, 2048), lambda i: (0, i)),
            full((2048, 128)),
            full((HIDDEN, NUM_HEADS)),
            full((IN_PLANES, HIDDEN)),
            full((IN_PLANES, HIDDEN)),
            full((IN_PLANES, HIDDEN)),
            full((8, HIDDEN)),
            full((1, HIDDEN)),
            full((HIDDEN, HIDDEN)),
            full((1, HIDDEN)),
            full((HIDDEN, HIDDEN)),
            full((1, HIDDEN)),
        ],
        out_specs=pl.BlockSpec((128, HIDDEN), lambda i: (i, 0)),
    )(xq, xg, cpnt, qpnt, emat, smat, Wq, Wk, Wv, Wp1p, bp1, Wp2, bp2, Wo, bo)


def kernel(p, x, o, n, xpp, Wq, Wk, Wv, Wp1, bp1, Wp2, bp2, Wo, bo):
    f32 = jnp.float32
    pad1 = lambda a: jnp.pad(a, (0, NPAD - N))
    px = pad1(p[:, 0]).reshape(8, 1280)
    py = pad1(p[:, 1]).reshape(8, 1280)
    pz = pad1(p[:, 2]).reshape(8, 1280)

    ptab = jnp.concatenate(
        [p, jnp.full((N, 1), -0.5, f32), jnp.zeros((N, 4), f32)], axis=1)
    ptab = jnp.pad(ptab, ((0, NPAD - N), (0, 0)))

    idx = _fps(px, py, pz, ptab)

    sp = jnp.sum(p * p, axis=1)
    sp_pad = jnp.pad(sp, (0, NPAD - N), constant_values=1e30)
    p8 = jnp.zeros((8, NPAD), f32)
    p8 = p8.at[0].set(px.reshape(-1)).at[1].set(py.reshape(-1))
    p8 = p8.at[2].set(pz.reshape(-1)).at[3].set(sp_pad)
    idx_pad = jnp.pad(idx, (0, MPAD - M))

    gidx = _knn(idx_pad, ptab, p8)[:M]

    idx_all = jnp.concatenate(
        [idx, gidx.reshape(-1), jnp.zeros((GB - M - M * K,), jnp.int32)])
    pntab = jnp.concatenate([p, n, jnp.zeros((N, 122), f32)], axis=1)
    xpptab = jnp.pad(xpp, ((0, 0), (0, 64)))
    xrows, pnrows, xpprows = _sc_gather(idx_all, x, pntab, xpptab)

    n_p = pnrows[:M, :3]
    n_n = pnrows[:M, 3:6]
    n_xpp = xpprows[:M, :64]

    xq = jnp.pad(xrows[:M], ((0, MPAD - M), (0, 0)))
    xg = jnp.pad(xrows[M:M + M * K], ((0, (MPAD - M) * K), (0, 0)))
    cpnt = jnp.pad(pnrows[M:M + M * K, :16], ((0, (MPAD - M) * K), (0, 0))).T
    qpnt = jnp.repeat(jnp.pad(pnrows[:M, :16], ((0, MPAD - M), (0, 0))),
                      K, axis=0).T
    cpnt = jnp.asarray(cpnt, f32)
    qpnt = jnp.asarray(qpnt, f32)

    emat = (lax.broadcasted_iota(jnp.int32, (2048, 128), 0) // K
            == lax.broadcasted_iota(jnp.int32, (2048, 128), 1)).astype(f32)
    smat = (lax.broadcasted_iota(jnp.int32, (HIDDEN, NUM_HEADS), 0) // DH
            == lax.broadcasted_iota(jnp.int32, (HIDDEN, NUM_HEADS), 1)
            ).astype(f32)
    Wp1p = jnp.concatenate([Wp1, jnp.zeros((4, HIDDEN), f32)], axis=0)

    x_out = _transformer(xq, xg, cpnt, qpnt, emat, smat, Wq, Wk, Wv, Wp1p,
                         bp1.reshape(1, -1), Wp2, bp2.reshape(1, -1),
                         Wo, bo.reshape(1, -1))[:M]

    n_o = jnp.array([M], dtype=jnp.int32)
    return (n_p, x_out, n_o, n_n, idx, n_xpp)

# --- scband reference (transcript-rebuilt; emitter-appended) ---
"""Pipeline reference for scband-transition-down-72567767433470 (READ-ONLY COPY).

The authoritative reference and input builder live on the scoring server;
editing this copy changes nothing except your own understanding.
"""

import jax, jax.numpy as jnp
import numpy as np

N = 10000
IN_PLANES = 128
OUT_PLANES = 256
HIDDEN = 256
NUM_HEADS = 4
STRIDE = 4
NSAMPLE = 16


def setup_inputs(seed: int = 0):
    key = jax.random.key(seed)
    ks = jax.random.split(key, 14)
    p = jax.random.uniform(ks[0], (N, 3), dtype=jnp.float32) * 2.0
    x = jax.random.normal(ks[1], (N, IN_PLANES), dtype=jnp.float32)
    n = jax.random.normal(ks[2], (N, 3), dtype=jnp.float32)
    n = n / (jnp.linalg.norm(n, axis=1, keepdims=True) + 1e-8)
    xpp = jax.random.normal(ks[3], (N, 64), dtype=jnp.float32)
    o = jnp.array([N], dtype=jnp.int32)
    s = 0.02
    Wq = jax.random.normal(ks[4], (IN_PLANES, HIDDEN), dtype=jnp.float32) * s
    Wk = jax.random.normal(ks[5], (IN_PLANES, HIDDEN), dtype=jnp.float32) * s
    Wv = jax.random.normal(ks[6], (IN_PLANES, HIDDEN), dtype=jnp.float32) * s
    Wp1 = jax.random.normal(ks[7], (4, HIDDEN), dtype=jnp.float32) * s
    bp1 = jnp.zeros((HIDDEN,), dtype=jnp.float32)
    Wp2 = jax.random.normal(ks[8], (HIDDEN, HIDDEN), dtype=jnp.float32) * s
    bp2 = jnp.zeros((HIDDEN,), dtype=jnp.float32)
    Wo = jax.random.normal(ks[9], (HIDDEN, OUT_PLANES), dtype=jnp.float32) * s
    bo = jnp.zeros((OUT_PLANES,), dtype=jnp.float32)
    return {'p': p, 'x': x, 'o': o, 'n': n, 'xpp': xpp, 'Wq': Wq, 'Wk': Wk, 'Wv': Wv,
            'Wp1': Wp1, 'bp1': bp1, 'Wp2': Wp2, 'bp2': bp2, 'Wo': Wo, 'bo': bo}


def fps(p, m):
    npts = p.shape[0]
    dists = jnp.full((npts,), 1e10, dtype=p.dtype)
    idxs = jnp.zeros((m,), dtype=jnp.int32)

    def body(i, carry):
        dists, idxs, last = carry
        d = jnp.sum((p - p[last]) ** 2, axis=1)
        dists = jnp.minimum(dists, d)
        nxt = jnp.argmax(dists).astype(jnp.int32)
        idxs = idxs.at[i].set(nxt)
        return (dists, idxs, nxt)

    dists, idxs, _ = jax.lax.fori_loop(1, m, body, (dists, idxs, jnp.int32(0)))
    return idxs


def knn(query, points, k):
    # squared L2 distances [M, N], take k nearest (pointops.queryandgroup equivalent)
    d = (jnp.sum(query ** 2, axis=1, keepdims=True)
         - 2.0 * query @ points.T
         + jnp.sum(points ** 2, axis=1)[None, :])
    negd, idx = jax.lax.top_k(-d, k)
    return idx, -negd


def _angle(a, b):
    cr = jnp.cross(a, b)
    return jnp.arctan2(jnp.linalg.norm(cr, axis=-1), jnp.sum(a * b, axis=-1))


def calc_ppf(n_p, n_n, c_p, c_n):
    # n_p,n_n: [M,3]; c_p,c_n: [M,K,3] -> ppf [M,K,4]
    d = c_p - n_p[:, None, :]
    nd = jnp.linalg.norm(d, axis=-1)
    n1 = jnp.broadcast_to(n_n[:, None, :], c_n.shape)
    a1 = _angle(n1, d)
    a2 = _angle(c_n, d)
    a3 = _angle(n1, c_n)
    return jnp.stack([a1, a2, a3, nd], axis=-1)


def local_ppf_transformer(x, idx, group_idx, ppf, Wq, Wk, Wv, Wp1, bp1, Wp2, bp2, Wo, bo):
    M, K = group_idx.shape
    dh = HIDDEN // NUM_HEADS
    q = (x[idx] @ Wq).reshape(M, NUM_HEADS, dh)
    xg = x[group_idx]
    k = (xg @ Wk).reshape(M, K, NUM_HEADS, dh)
    v = (xg @ Wv).reshape(M, K, NUM_HEADS, dh)
    pe = jax.nn.relu(ppf @ Wp1 + bp1) @ Wp2 + bp2
    pe = pe.reshape(M, K, NUM_HEADS, dh)
    logits = jnp.einsum('mhd,mkhd->mkh', q, k + pe) / jnp.sqrt(dh)
    attn = jax.nn.softmax(logits, axis=1)
    out = jnp.einsum('mkh,mkhd->mhd', attn, v + pe).reshape(M, HIDDEN)
    return out @ Wo + bo


def reference(p, x, o, n, xpp, Wq, Wk, Wv, Wp1, bp1, Wp2, bp2, Wo, bo):
    M = p.shape[0] // STRIDE
    idx = fps(p, M)
    n_p = p[idx]
    n_n = n[idx]
    n_xpp = xpp[idx]
    group_idx, dist = knn(n_p, p, NSAMPLE)
    c_p = p[group_idx]
    c_n = n[group_idx]
    ppf = calc_ppf(n_p, n_n, c_p, c_n)
    x_out = local_ppf_transformer(x, idx, group_idx[:, :NSAMPLE], ppf[:, :NSAMPLE],
                                  Wq, Wk, Wv, Wp1, bp1, Wp2, bp2, Wo, bo)
    n_o = jnp.array([M], dtype=jnp.int32)
    return (n_p, x_out, n_o, n_n, idx, n_xpp)

if __name__ == "__main__":
    import jax
    _d = setup_inputs()
    print(jax.jit(kernel)(*tuple(_d.values())))

</pallas_src>

<mosaic_0001>
#map = affine_map<(d0, d1) -> (0)>
#map1 = affine_map<(d0, d1) -> (0, 0)>
module attributes {stable_mosaic.version = 14 : i64} {
  func.func @run(%arg0: i32, %arg1: i32, %arg2: memref<43008xi32, #tpu.memory_space<hbm>>, %arg3: memref<10000x128xf32, #tpu.memory_space<hbm>>, %arg4: memref<10000x128xf32, #tpu.memory_space<hbm>>, %arg5: memref<10000x128xf32, #tpu.memory_space<hbm>>, %arg6: memref<43008x128xf32, #tpu.memory_space<hbm>>, %arg7: memref<43008x128xf32, #tpu.memory_space<hbm>>, %arg8: memref<2560x128xf32, #tpu.memory_space<hbm>>, %arg9: memref<1344xi32, #tpu.memory_space<vmem>>, %arg10: memref<80xi32, #tpu.memory_space<vmem>>, %arg11: memref<672x128xf32, #tpu.memory_space<vmem>>, %arg12: memref<!tpu.dma_semaphore, #tpu.memory_space<semaphore_mem>>) attributes {dimension_semantics = [#tpu.dimension_semantics<core_parallel>, #tpu.dimension_semantics<subcore_parallel>], iteration_bounds = array<i64: 2, 16>, scalar_prefetch = 0 : i64, scratch_operands = 4 : i64, tpu.core_type = #tpu.core_type<sc_vector_subcore>, window_params = [{transform_indices = #map}, {transform_indices = #map1}, {transform_indices = #map1}, {transform_indices = #map1}, {transform_indices = #map1}, {transform_indices = #map1}, {transform_indices = #map1}]} {
    %mul3A = arith.constant 2 : i32
    %mul3A_0 = arith.muli %arg1, %mul3A : i32
    %add3A = arith.addi %mul3A_0, %arg0 : i32
    %mul3A_1 = arith.constant 1344 : i32
    %mul3A_2 = arith.muli %add3A, %mul3A_1 : i32
    "tpu.region"() ({
      %run_scoped3A = tpu.sem_alloc : memref<!tpu.dma_semaphore, #tpu.memory_space<semaphore_mem>>
      %dma_start3A_59 = tpu.memref_slice %arg2[%mul3A_2] : memref<43008xi32, #tpu.memory_space<hbm>> -> memref<1344xi32, #tpu.memory_space<hbm>>
      %dma_start3A_60 = tpu.memref_slice %arg2[%mul3A_2] : memref<43008xi32, #tpu.memory_space<hbm>> -> memref<1344xi32, #tpu.memory_space<hbm>>
      tpu.enqueue_dma source(%dma_start3A_60 : memref<1344xi32, #tpu.memory_space<hbm>>) target(%arg9 : memref<1344xi32, #tpu.memory_space<vmem>>) target_semaphore(%run_scoped3A : memref<!tpu.dma_semaphore, #tpu.memory_space<semaphore_mem>>)
      %dma_wait3A_61 = tpu.memref_slice %arg2[%mul3A_2] : memref<43008xi32, #tpu.memory_space<hbm>> -> memref<1344xi32, #tpu.memory_space<hbm>>
      %dma_wait3A_62 = tpu.memref_slice %arg2[%mul3A_2] : memref<43008xi32, #tpu.memory_space<hbm>> -> memref<1344xi32, #tpu.memory_space<hbm>>
      tpu.wait_dma2 semaphore(%run_scoped3A : memref<!tpu.dma_semaphore, #tpu.memory_space<semaphore_mem>>) src(%dma_wait3A_62 : memref<1344xi32, #tpu.memory_space<hbm>>) dst(%arg9 : memref<1344xi32, #tpu.memory_space<vmem>>)
      tpu.yield
    }) : () -> ()
    %add3A_3 = arith.constant 0 : i32
    %add3A_4 = arith.addi %mul3A_2, %add3A_3 : i32
    %dma_start3A = arith.constant 0 : i32
    %dma_start3A_5 = tpu.memref_slice %arg9[%dma_start3A] : memref<1344xi32, #tpu.memory_space<vmem>> -> memref<672xi32, #tpu.memory_space<vmem>>
    %dma_start3A_6 = arith.constant 0 : i32
    %dma_start3A_7 = arith.constant 0 : i32
    %dma_start3A_8 = tpu.memref_slice %arg3[%dma_start3A_6, %dma_start3A_7] : memref<10000x128xf32, #tpu.memory_space<hbm>> -> memref<10000x128xf32, #tpu.memory_space<hbm>>
    tpu.enqueue_indirect_dma source(%dma_start3A_8 : memref<10000x128xf32, #tpu.memory_space<hbm>>) target(%arg11 : memref<672x128xf32, #tpu.memory_space<vmem>>) offsets(%dma_start3A_5 : memref<672xi32, #tpu.memory_space<vmem>>) semaphore(%arg12 : memref<!tpu.dma_semaphore, #tpu.memory_space<semaphore_mem>>)
    %dma_wait3A = arith.constant 0 : i32
    %dma_wait3A_9 = tpu.memref_slice %arg9[%dma_wait3A] : memref<1344xi32, #tpu.memory_space<vmem>> -> memref<672xi32, #tpu.memory_space<vmem>>
    %dma_wait3A_10 = arith.constant 0 : i32
    %dma_wait3A_11 = arith.constant 0 : i32
    %dma_wait3A_12 = tpu.memref_slice %arg3[%dma_wait3A_10, %dma_wait3A_11] : memref<10000x128xf32, #tpu.memory_space<hbm>> -> memref<10000x128xf32, #tpu.memory_space<hbm>>
    tpu.wait_indirect_dma semaphore(%arg12 : memref<!tpu.dma_semaphore, #tpu.memory_space<semaphore_mem>>) src(%dma_wait3A_12 : memref<10000x128xf32, #tpu.memory_space<hbm>>) dst(%arg11 : memref<672x128xf32, #tpu.memory_space<vmem>>)
    "tpu.region"() ({
      %run_scoped3A = tpu.sem_alloc : memref<!tpu.dma_semaphore, #tpu.memory_space<semaphore_mem>>
      %dma_start3A_59 = arith.constant 0 : i32
      %dma_start3A_60 = tpu.memref_slice %arg6[%add3A_4, %dma_start3A_59] : memref<43008x128xf32, #tpu.memory_space<hbm>> -> memref<672x128xf32, #tpu.memory_space<hbm>>
      %dma_start3A_61 = arith.constant 0 : i32
      %dma_start3A_62 = tpu.memref_slice %arg6[%add3A_4, %dma_start3A_61] : memref<43008x128xf32, #tpu.memory_space<hbm>> -> memref<672x128xf32, #tpu.memory_space<hbm>>
      tpu.enqueue_dma source(%arg11 : memref<672x128xf32, #tpu.memory_space<vmem>>) target(%dma_start3A_62 : memref<672x128xf32, #tpu.memory_space<hbm>>) target_semaphore(%run_scoped3A : memref<!tpu.dma_semaphore, #tpu.memory_space<semaphore_mem>>)
      %dma_wait3A_63 = arith.constant 0 : i32
      %dma_wait3A_64 = tpu.memref_slice %arg6[%add3A_4, %dma_wait3A_63] : memref<43008x128xf32, #tpu.memory_space<hbm>> -> memref<672x128xf32, #tpu.memory_space<hbm>>
      %dma_wait3A_65 = arith.constant 0 : i32
      %dma_wait3A_66 = tpu.memref_slice %arg6[%add3A_4, %dma_wait3A_65] : memref<43008x128xf32, #tpu.memory_space<hbm>> -> memref<672x128xf32, #tpu.memory_space<hbm>>
      tpu.wait_dma2 semaphore(%run_scoped3A : memref<!tpu.dma_semaphore, #tpu.memory_space<semaphore_mem>>) src(%arg11 : memref<672x128xf32, #tpu.memory_space<vmem>>) dst(%dma_wait3A_66 : memref<672x128xf32, #tpu.memory_space<hbm>>)
      tpu.yield
    }) : () -> ()
    %dma_start3A_13 = arith.constant 0 : i32
    %dma_start3A_14 = tpu.memref_slice %arg9[%dma_start3A_13] : memref<1344xi32, #tpu.memory_space<vmem>> -> memref<672xi32, #tpu.memory_space<vmem>>
    %dma_start3A_15 = arith.constant 0 : i32
    %dma_start3A_16 = arith.constant 0 : i32
    %dma_start3A_17 = tpu.memref_slice %arg4[%dma_start3A_15, %dma_start3A_16] : memref<10000x128xf32, #tpu.memory_space<hbm>> -> memref<10000x128xf32, #tpu.memory_space<hbm>>
    tpu.enqueue_indirect_dma source(%dma_start3A_17 : memref<10000x128xf32, #tpu.memory_space<hbm>>) target(%arg11 : memref<672x128xf32, #tpu.memory_space<vmem>>) offsets(%dma_start3A_14 : memref<672xi32, #tpu.memory_space<vmem>>) semaphore(%arg12 : memref<!tpu.dma_semaphore, #tpu.memory_space<semaphore_mem>>)
    %dma_wait3A_18 = arith.constant 0 : i32
    %dma_wait3A_19 = tpu.memref_slice %arg9[%dma_wait3A_18] : memref<1344xi32, #tpu.memory_space<vmem>> -> memref<672xi32, #tpu.memory_space<vmem>>
    %dma_wait3A_20 = arith.constant 0 : i32
    %dma_wait3A_21 = arith.constant 0 : i32
    %dma_wait3A_22 = tpu.memref_slice %arg4[%dma_wait3A_20, %dma_wait3A_21] : memref<10000x128xf32, #tpu.memory_space<hbm>> -> memref<10000x128xf32, #tpu.memory_space<hbm>>
    tpu.wait_indirect_dma semaphore(%arg12 : memref<!tpu.dma_semaphore, #tpu.memory_space<semaphore_mem>>) src(%dma_wait3A_22 : memref<10000x128xf32, #tpu.memory_space<hbm>>) dst(%arg11 : memref<672x128xf32, #tpu.memory_space<vmem>>)
    "tpu.region"() ({
      %run_scoped3A = tpu.sem_alloc : memref<!tpu.dma_semaphore, #tpu.memory_space<semaphore_mem>>
      %dma_start3A_59 = arith.constant 0 : i32
      %dma_start3A_60 = tpu.memref_slice %arg7[%add3A_4, %dma_start3A_59] : memref<43008x128xf32, #tpu.memory_space<hbm>> -> memref<672x128xf32, #tpu.memory_space<hbm>>
      %dma_start3A_61 = arith.constant 0 : i32
      %dma_start3A_62 = tpu.memref_slice %arg7[%add3A_4, %dma_start3A_61] : memref<43008x128xf32, #tpu.memory_space<hbm>> -> memref<672x128xf32, #tpu.memory_space<hbm>>
      tpu.enqueue_dma source(%arg11 : memref<672x128xf32, #tpu.memory_space<vmem>>) target(%dma_start3A_62 : memref<672x128xf32, #tpu.memory_space<hbm>>) target_semaphore(%run_scoped3A : memref<!tpu.dma_semaphore, #tpu.memory_space<semaphore_mem>>)
      %dma_wait3A_63 = arith.constant 0 : i32
      %dma_wait3A_64 = tpu.memref_slice %arg7[%add3A_4, %dma_wait3A_63] : memref<43008x128xf32, #tpu.memory_space<hbm>> -> memref<672x128xf32, #tpu.memory_space<hbm>>
      %dma_wait3A_65 = arith.constant 0 : i32
      %dma_wait3A_66 = tpu.memref_slice %arg7[%add3A_4, %dma_wait3A_65] : memref<43008x128xf32, #tpu.memory_space<hbm>> -> memref<672x128xf32, #tpu.memory_space<hbm>>
      tpu.wait_dma2 semaphore(%run_scoped3A : memref<!tpu.dma_semaphore, #tpu.memory_space<semaphore_mem>>) src(%arg11 : memref<672x128xf32, #tpu.memory_space<vmem>>) dst(%dma_wait3A_66 : memref<672x128xf32, #tpu.memory_space<hbm>>)
      tpu.yield
    }) : () -> ()
    %add3A_23 = arith.constant 672 : i32
    %add3A_24 = arith.addi %mul3A_2, %add3A_23 : i32
    %dma_start3A_25 = arith.constant 672 : i32
    %dma_start3A_26 = tpu.memref_slice %arg9[%dma_start3A_25] : memref<1344xi32, #tpu.memory_space<vmem>> -> memref<672xi32, #tpu.memory_space<vmem>>
    %dma_start3A_27 = arith.constant 0 : i32
    %dma_start3A_28 = arith.constant 0 : i32
    %dma_start3A_29 = tpu.memref_slice %arg3[%dma_start3A_27, %dma_start3A_28] : memref<10000x128xf32, #tpu.memory_space<hbm>> -> memref<10000x128xf32, #tpu.memory_space<hbm>>
    tpu.enqueue_indirect_dma source(%dma_start3A_29 : memref<10000x128xf32, #tpu.memory_space<hbm>>) target(%arg11 : memref<672x128xf32, #tpu.memory_space<vmem>>) offsets(%dma_start3A_26 : memref<672xi32, #tpu.memory_space<vmem>>) semaphore(%arg12 : memref<!tpu.dma_semaphore, #tpu.memory_space<semaphore_mem>>)
    %dma_wait3A_30 = arith.constant 672 : i32
    %dma_wait3A_31 = tpu.memref_slice %arg9[%dma_wait3A_30] : memref<1344xi32, #tpu.memory_space<vmem>> -> memref<672xi32, #tpu.memory_space<vmem>>
    %dma_wait3A_32 = arith.constant 0 : i32
    %dma_wait3A_33 = arith.constant 0 : i32
    %dma_wait3A_34 = tpu.memref_slice %arg3[%dma_wait3A_32, %dma_wait3A_33] : memref<10000x128xf32, #tpu.memory_space<hbm>> -> memref<10000x128xf32, #tpu.memory_space<hbm>>
    tpu.wait_indirect_dma semaphore(%arg12 : memref<!tpu.dma_semaphore, #tpu.memory_space<semaphore_mem>>) src(%dma_wait3A_34 : memref<10000x128xf32, #tpu.memory_space<hbm>>) dst(%arg11 : memref<672x128xf32, #tpu.memory_space<vmem>>)
    "tpu.region"() ({
      %run_scoped3A = tpu.sem_alloc : memref<!tpu.dma_semaphore, #tpu.memory_space<semaphore_mem>>
      %dma_start3A_59 = arith.constant 0 : i32
      %dma_start3A_60 = tpu.memref_slice %arg6[%add3A_24, %dma_start3A_59] : memref<43008x128xf32, #tpu.memory_space<hbm>> -> memref<672x128xf32, #tpu.memory_space<hbm>>
      %dma_start3A_61 = arith.constant 0 : i32
      %dma_start3A_62 = tpu.memref_slice %arg6[%add3A_24, %dma_start3A_61] : memref<43008x128xf32, #tpu.memory_space<hbm>> -> memref<672x128xf32, #tpu.memory_space<hbm>>
      tpu.enqueue_dma source(%arg11 : memref<672x128xf32, #tpu.memory_space<vmem>>) target(%dma_start3A_62 : memref<672x128xf32, #tpu.memory_space<hbm>>) target_semaphore(%run_scoped3A : memref<!tpu.dma_semaphore, #tpu.memory_space<semaphore_mem>>)
      %dma_wait3A_63 = arith.constant 0 : i32
      %dma_wait3A_64 = tpu.memref_slice %arg6[%add3A_24, %dma_wait3A_63] : memref<43008x128xf32, #tpu.memory_space<hbm>> -> memref<672x128xf32, #tpu.memory_space<hbm>>
      %dma_wait3A_65 = arith.constant 0 : i32
      %dma_wait3A_66 = tpu.memref_slice %arg6[%add3A_24, %dma_wait3A_65] : memref<43008x128xf32, #tpu.memory_space<hbm>> -> memref<672x128xf32, #tpu.memory_space<hbm>>
      tpu.wait_dma2 semaphore(%run_scoped3A : memref<!tpu.dma_semaphore, #tpu.memory_space<semaphore_mem>>) src(%arg11 : memref<672x128xf32, #tpu.memory_space<vmem>>) dst(%dma_wait3A_66 : memref<672x128xf32, #tpu.memory_space<hbm>>)
      tpu.yield
    }) : () -> ()
    %dma_start3A_35 = arith.constant 672 : i32
    %dma_start3A_36 = tpu.memref_slice %arg9[%dma_start3A_35] : memref<1344xi32, #tpu.memory_space<vmem>> -> memref<672xi32, #tpu.memory_space<vmem>>
    %dma_start3A_37 = arith.constant 0 : i32
    %dma_start3A_38 = arith.constant 0 : i32
    %dma_start3A_39 = tpu.memref_slice %arg4[%dma_start3A_37, %dma_start3A_38] : memref<10000x128xf32, #tpu.memory_space<hbm>> -> memref<10000x128xf32, #tpu.memory_space<hbm>>
    tpu.enqueue_indirect_dma source(%dma_start3A_39 : memref<10000x128xf32, #tpu.memory_space<hbm>>) target(%arg11 : memref<672x128xf32, #tpu.memory_space<vmem>>) offsets(%dma_start3A_36 : memref<672xi32, #tpu.memory_space<vmem>>) semaphore(%arg12 : memref<!tpu.dma_semaphore, #tpu.memory_space<semaphore_mem>>)
    %dma_wait3A_40 = arith.constant 672 : i32
    %dma_wait3A_41 = tpu.memref_slice %arg9[%dma_wait3A_40] : memref<1344xi32, #tpu.memory_space<vmem>> -> memref<672xi32, #tpu.memory_space<vmem>>
    %dma_wait3A_42 = arith.constant 0 : i32
    %dma_wait3A_43 = arith.constant 0 : i32
    %dma_wait3A_44 = tpu.memref_slice %arg4[%dma_wait3A_42, %dma_wait3A_43] : memref<10000x128xf32, #tpu.memory_space<hbm>> -> memref<10000x128xf32, #tpu.memory_space<hbm>>
    tpu.wait_indirect_dma semaphore(%arg12 : memref<!tpu.dma_semaphore, #tpu.memory_space<semaphore_mem>>) src(%dma_wait3A_44 : memref<10000x128xf32, #tpu.memory_space<hbm>>) dst(%arg11 : memref<672x128xf32, #tpu.memory_space<vmem>>)
    "tpu.region"() ({
      %run_scoped3A = tpu.sem_alloc : memref<!tpu.dma_semaphore, #tpu.memory_space<semaphore_mem>>
      %dma_start3A_59 = arith.constant 0 : i32
      %dma_start3A_60 = tpu.memref_slice %arg7[%add3A_24, %dma_start3A_59] : memref<43008x128xf32, #tpu.memory_space<hbm>> -> memref<672x128xf32, #tpu.memory_space<hbm>>
      %dma_start3A_61 = arith.constant 0 : i32
      %dma_start3A_62 = tpu.memref_slice %arg7[%add3A_24, %dma_start3A_61] : memref<43008x128xf32, #tpu.memory_space<hbm>> -> memref<672x128xf32, #tpu.memory_space<hbm>>
      tpu.enqueue_dma source(%arg11 : memref<672x128xf32, #tpu.memory_space<vmem>>) target(%dma_start3A_62 : memref<672x128xf32, #tpu.memory_space<hbm>>) target_semaphore(%run_scoped3A : memref<!tpu.dma_semaphore, #tpu.memory_space<semaphore_mem>>)
      %dma_wait3A_63 = arith.constant 0 : i32
      %dma_wait3A_64 = tpu.memref_slice %arg7[%add3A_24, %dma_wait3A_63] : memref<43008x128xf32, #tpu.memory_space<hbm>> -> memref<672x128xf32, #tpu.memory_space<hbm>>
      %dma_wait3A_65 = arith.constant 0 : i32
      %dma_wait3A_66 = tpu.memref_slice %arg7[%add3A_24, %dma_wait3A_65] : memref<43008x128xf32, #tpu.memory_space<hbm>> -> memref<672x128xf32, #tpu.memory_space<hbm>>
      tpu.wait_dma2 semaphore(%run_scoped3A : memref<!tpu.dma_semaphore, #tpu.memory_space<semaphore_mem>>) src(%arg11 : memref<672x128xf32, #tpu.memory_space<vmem>>) dst(%dma_wait3A_66 : memref<672x128xf32, #tpu.memory_space<hbm>>)
      tpu.yield
    }) : () -> ()
    %mul3A_45 = arith.constant 80 : i32
    %mul3A_46 = arith.muli %add3A, %mul3A_45 : i32
    "tpu.region"() ({
      %run_scoped3A = tpu.sem_alloc : memref<!tpu.dma_semaphore, #tpu.memory_space<semaphore_mem>>
      %dma_start3A_59 = tpu.memref_slice %arg2[%mul3A_46] : memref<43008xi32, #tpu.memory_space<hbm>> -> memref<80xi32, #tpu.memory_space<hbm>>
      %dma_start3A_60 = tpu.memref_slice %arg2[%mul3A_46] : memref<43008xi32, #tpu.memory_space<hbm>> -> memref<80xi32, #tpu.memory_space<hbm>>
      tpu.enqueue_dma source(%dma_start3A_60 : memref<80xi32, #tpu.memory_space<hbm>>) target(%arg10 : memref<80xi32, #tpu.memory_space<vmem>>) target_semaphore(%run_scoped3A : memref<!tpu.dma_semaphore, #tpu.memory_space<semaphore_mem>>)
      %dma_wait3A_61 = tpu.memref_slice %arg2[%mul3A_46] : memref<43008xi32, #tpu.memory_space<hbm>> -> memref<80xi32, #tpu.memory_space<hbm>>
      %dma_wait3A_62 = tpu.memref_slice %arg2[%mul3A_46] : memref<43008xi32, #tpu.memory_space<hbm>> -> memref<80xi32, #tpu.memory_space<hbm>>
      tpu.wait_dma2 semaphore(%run_scoped3A : memref<!tpu.dma_semaphore, #tpu.memory_space<semaphore_mem>>) src(%dma_wait3A_62 : memref<80xi32, #tpu.memory_space<hbm>>) dst(%arg10 : memref<80xi32, #tpu.memory_space<vmem>>)
      tpu.yield
    }) : () -> ()
    %dma_start3A_47 = arith.constant 0 : i32
    %dma_start3A_48 = arith.constant 0 : i32
    %dma_start3A_49 = tpu.memref_slice %arg11[%dma_start3A_47, %dma_start3A_48] : memref<672x128xf32, #tpu.memory_space<vmem>> -> memref<80x128xf32, #tpu.memory_space<vmem>>
    %dma_start3A_50 = arith.constant 0 : i32
    %dma_start3A_51 = arith.constant 0 : i32
    %dma_start3A_52 = tpu.memref_slice %arg5[%dma_start3A_50, %dma_start3A_51] : memref<10000x128xf32, #tpu.memory_space<hbm>> -> memref<10000x128xf32, #tpu.memory_space<hbm>>
    tpu.enqueue_indirect_dma source(%dma_start3A_52 : memref<10000x128xf32, #tpu.memory_space<hbm>>) target(%dma_start3A_49 : memref<80x128xf32, #tpu.memory_space<vmem>>) offsets(%arg10 : memref<80xi32, #tpu.memory_space<vmem>>) semaphore(%arg12 : memref<!tpu.dma_semaphore, #tpu.memory_space<semaphore_mem>>)
    %dma_wait3A_53 = arith.constant 0 : i32
    %dma_wait3A_54 = arith.constant 0 : i32
    %dma_wait3A_55 = tpu.memref_slice %arg11[%dma_wait3A_53, %dma_wait3A_54] : memref<672x128xf32, #tpu.memory_space<vmem>> -> memref<80x128xf32, #tpu.memory_space<vmem>>
    %dma_wait3A_56 = arith.constant 0 : i32
    %dma_wait3A_57 = arith.constant 0 : i32
    %dma_wait3A_58 = tpu.memref_slice %arg5[%dma_wait3A_56, %dma_wait3A_57] : memref<10000x128xf32, #tpu.memory_space<hbm>> -> memref<10000x128xf32, #tpu.memory_space<hbm>>
    tpu.wait_indirect_dma semaphore(%arg12 : memref<!tpu.dma_semaphore, #tpu.memory_space<semaphore_mem>>) src(%dma_wait3A_58 : memref<10000x128xf32, #tpu.memory_space<hbm>>) dst(%dma_wait3A_55 : memref<80x128xf32, #tpu.memory_space<vmem>>)
    "tpu.region"() ({
      %run_scoped3A = tpu.sem_alloc : memref<!tpu.dma_semaphore, #tpu.memory_space<semaphore_mem>>
      %dma_start3A_59 = arith.constant 0 : i32
      %dma_start3A_60 = arith.constant 0 : i32
      %dma_start3A_61 = tpu.memref_slice %arg11[%dma_start3A_59, %dma_start3A_60] : memref<672x128xf32, #tpu.memory_space<vmem>> -> memref<80x128xf32, #tpu.memory_space<vmem>>
      %dma_start3A_62 = arith.constant 0 : i32
      %dma_start3A_63 = tpu.memref_slice %arg8[%mul3A_46, %dma_start3A_62] : memref<2560x128xf32, #tpu.memory_space<hbm>> -> memref<80x128xf32, #tpu.memory_space<hbm>>
      %dma_start3A_64 = arith.constant 0 : i32
      %dma_start3A_65 = tpu.memref_slice %arg8[%mul3A_46, %dma_start3A_64] : memref<2560x128xf32, #tpu.memory_space<hbm>> -> memref<80x128xf32, #tpu.memory_space<hbm>>
      %dma_start3A_66 = arith.constant 0 : i32
      %dma_start3A_67 = arith.constant 0 : i32
      %dma_start3A_68 = tpu.memref_slice %arg11[%dma_start3A_66, %dma_start3A_67] : memref<672x128xf32, #tpu.memory_space<vmem>> -> memref<80x128xf32, #tpu.memory_space<vmem>>
      tpu.enqueue_dma source(%dma_start3A_68 : memref<80x128xf32, #tpu.memory_space<vmem>>) target(%dma_start3A_65 : memref<80x128xf32, #tpu.memory_space<hbm>>) target_semaphore(%run_scoped3A : memref<!tpu.dma_semaphore, #tpu.memory_space<semaphore_mem>>)
      %dma_wait3A_69 = arith.constant 0 : i32
      %dma_wait3A_70 = arith.constant 0 : i32
      %dma_wait3A_71 = tpu.memref_slice %arg11[%dma_wait3A_69, %dma_wait3A_70] : memref<672x128xf32, #tpu.memory_space<vmem>> -> memref<80x128xf32, #tpu.memory_space<vmem>>
      %dma_wait3A_72 = arith.constant 0 : i32
      %dma_wait3A_73 = tpu.memref_slice %arg8[%mul3A_46, %dma_wait3A_72] : memref<2560x128xf32, #tpu.memory_space<hbm>> -> memref<80x128xf32, #tpu.memory_space<hbm>>
      %dma_wait3A_74 = arith.constant 0 : i32
      %dma_wait3A_75 = tpu.memref_slice %arg8[%mul3A_46, %dma_wait3A_74] : memref<2560x128xf32, #tpu.memory_space<hbm>> -> memref<80x128xf32, #tpu.memory_space<hbm>>
      %dma_wait3A_76 = arith.constant 0 : i32
      %dma_wait3A_77 = arith.constant 0 : i32
      %dma_wait3A_78 = tpu.memref_slice %arg11[%dma_wait3A_76, %dma_wait3A_77] : memref<672x128xf32, #tpu.memory_space<vmem>> -> memref<80x128xf32, #tpu.memory_space<vmem>>
      tpu.wait_dma2 semaphore(%run_scoped3A : memref<!tpu.dma_semaphore, #tpu.memory_space<semaphore_mem>>) src(%dma_wait3A_78 : memref<80x128xf32, #tpu.memory_space<vmem>>) dst(%dma_wait3A_75 : memref<80x128xf32, #tpu.memory_space<hbm>>)
      tpu.yield
    }) : () -> ()
    return
  }
}

module attributes {stable_mosaic.version = 14 : i64} {
  func.func @_fps_body(%arg0: memref<8x1280xf32, #tpu.memory_space<vmem>>, %arg1: memref<8x1280xf32, #tpu.memory_space<vmem>>, %arg2: memref<8x1280xf32, #tpu.memory_space<vmem>>, %arg3: memref<10240x8xf32, #tpu.memory_space<vmem>>, %arg4: memref<2500xi32, #tpu.memory_space<smem>>) attributes {dimension_semantics = [], scalar_prefetch = 0 : i64, scratch_operands = 0 : i64, tpu.core_type = #tpu.core_type<tc>} {
    %get3A = arith.constant 0 : index
    %get3A_0 = arith.constant 0 : index
    %get3A_1 = vector.load %arg0[%get3A, %get3A_0] : memref<8x1280xf32, #tpu.memory_space<vmem>>, vector<8x1280xf32>
    %get3A_2 = arith.constant 0 : index
    %get3A_3 = arith.constant 0 : index
    %get3A_4 = vector.load %arg1[%get3A_2, %get3A_3] : memref<8x1280xf32, #tpu.memory_space<vmem>>, vector<8x1280xf32>
    %get3A_5 = arith.constant 0 : index
    %get3A_6 = arith.constant 0 : index
    %get3A_7 = vector.load %arg2[%get3A_5, %get3A_6] : memref<8x1280xf32, #tpu.memory_space<vmem>>, vector<8x1280xf32>
    %iota3A = tpu.iota {dimensions = array<i32: 0>} : vector<8x1280xi32>
    %mul3A = arith.constant 1280 : i32
    %mul3A_8 = vector.broadcast %mul3A : i32 to vector<8x1280xi32>
    %mul3A_9 = arith.muli %iota3A, %mul3A_8 : vector<8x1280xi32>
    %iota3A_10 = tpu.iota {dimensions = array<i32: 1>} : vector<8x1280xi32>
    %add3A = arith.addi %mul3A_9, %iota3A_10 : vector<8x1280xi32>
    %lt3A = arith.constant 10000 : i32
    %lt3A_11 = vector.broadcast %lt3A : i32 to vector<8x1280xi32>
    %lt3A_12 = arith.cmpi slt, %add3A, %lt3A_11 : vector<8x1280xi32>
    %jit3A = arith.constant 1.000000e+10 : f32
    %jit3A_13 = arith.constant -1.000000e+00 : f32
    %broadcast_in_dim3A = vector.broadcast %jit3A : f32 to vector<8x1280xf32>
    %broadcast_in_dim3A_14 = vector.broadcast %jit3A_13 : f32 to vector<8x1280xf32>
    %select_n3A = arith.select %lt3A_12, %broadcast_in_dim3A, %broadcast_in_dim3A_14 : vector<8x1280xi1>, vector<8x1280xf32>
    %swap3A = arith.constant 0 : i32
    %swap3A_15 = arith.constant 0 : index
    %swap3A_16 = memref.load %arg4[%swap3A_15] : memref<2500xi32, #tpu.memory_space<smem>>
    memref.store %swap3A, %arg4[%swap3A_15] : memref<2500xi32, #tpu.memory_space<smem>>
    %get3A_17 = arith.constant 0 : index
    %get3A_18 = arith.constant 0 : index
    %get3A_19 = vector.load %arg3[%get3A_17, %get3A_18] : memref<10240x8xf32, #tpu.memory_space<vmem>>, vector<1x8xf32>
    %slice3A = vector.extract_strided_slice %get3A_19 {offsets = [0, 0], sizes = [1, 1], strides = [1, 1]} : vector<1x8xf32> to vector<1x1xf32>
    %squeeze3A = vector.extract %slice3A[0, 0] : f32 from vector<1x1xf32>
    %slice3A_20 = vector.extract_strided_slice %get3A_19 {offsets = [0, 1], sizes = [1, 1], strides = [1, 1]} : vector<1x8xf32> to vector<1x1xf32>
    %squeeze3A_21 = vector.extract %slice3A_20[0, 0] : f32 from vector<1x1xf32>
    %slice3A_22 = vector.extract_strided_slice %get3A_19 {offsets = [0, 2], sizes = [1, 1], strides = [1, 1]} : vector<1x8xf32> to vector<1x1xf32>
    %squeeze3A_23 = vector.extract %slice3A_22[0, 0] : f32 from vector<1x1xf32>
    %broadcast_in_dim3A_24 = arith.constant 1.000000e+00 : f32
    %broadcast_in_dim3A_25 = vector.broadcast %broadcast_in_dim3A_24 : f32 to vector<128x8xf32>
    %scan3A = arith.constant 0xFF800000 : f32
    %scan3A_26 = arith.constant 1 : i32
    %scan3A_27 = arith.constant 2499 : i32
    %scan3A_28 = arith.addi %scan3A_26, %scan3A_27 : i32
    %scan3A_29 = arith.constant 1 : i32
    %scan3A_30:4 = scf.for %scan3A_32 = %scan3A_26 to %scan3A_28 step %scan3A_29 iter_args(%scan3A_33 = %select_n3A, %scan3A_34 = %squeeze3A, %scan3A_35 = %squeeze3A_21, %scan3A_36 = %squeeze3A_23) -> (vector<8x1280xf32>, f32, f32, f32)  : i32 {
      %sub3A = vector.broadcast %scan3A_34 : f32 to vector<8x1280xf32>
      %sub3A_37 = arith.subf %get3A_1, %sub3A : vector<8x1280xf32>
      %sub3A_38 = vector.broadcast %scan3A_35 : f32 to vector<8x1280xf32>
      %sub3A_39 = arith.subf %get3A_4, %sub3A_38 : vector<8x1280xf32>
      %sub3A_40 = vector.broadcast %scan3A_36 : f32 to vector<8x1280xf32>
      %sub3A_41 = arith.subf %get3A_7, %sub3A_40 : vector<8x1280xf32>
      %mul3A_42 = arith.mulf %sub3A_37, %sub3A_37 : vector<8x1280xf32>
      %mul3A_43 = arith.mulf %sub3A_39, %sub3A_39 : vector<8x1280xf32>
      %add3A_44 = arith.addf %mul3A_42, %mul3A_43 : vector<8x1280xf32>
      %mul3A_45 = arith.mulf %sub3A_41, %sub3A_41 : vector<8x1280xf32>
      %add3A_46 = arith.addf %add3A_44, %mul3A_45 : vector<8x1280xf32>
      %min3A = arith.minimumf %scan3A_33, %add3A_46 : vector<8x1280xf32>
      %slice3A_47 = vector.extract_strided_slice %min3A {offsets = [0, 0], sizes = [8, 640], strides = [1, 1]} : vector<8x1280xf32> to vector<8x640xf32>
      %slice3A_48 = vector.extract_strided_slice %add3A {offsets = [0, 0], sizes = [8, 640], strides = [1, 1]} : vector<8x1280xi32> to vector<8x640xi32>
      %slice3A_49 = vector.extract_strided_slice %get3A_1 {offsets = [0, 0], sizes = [8, 640], strides = [1, 1]} : vector<8x1280xf32> to vector<8x640xf32>
      %slice3A_50 = vector.extract_strided_slice %get3A_4 {offsets = [0, 0], sizes = [8, 640], strides = [1, 1]} : vector<8x1280xf32> to vector<8x640xf32>
      %slice3A_51 = vector.extract_strided_slice %get3A_7 {offsets = [0, 0], sizes = [8, 640], strides = [1, 1]} : vector<8x1280xf32> to vector<8x640xf32>
      %slice3A_52 = vector.extract_strided_slice %min3A {offsets = [0, 640], sizes = [8, 640], strides = [1, 1]} : vector<8x1280xf32> to vector<8x640xf32>
      %slice3A_53 = vector.extract_strided_slice %add3A {offsets = [0, 640], sizes = [8, 640], strides = [1, 1]} : vector<8x1280xi32> to vector<8x640xi32>
      %slice3A_54 = vector.extract_strided_slice %get3A_1 {offsets = [0, 640], sizes = [8, 640], strides = [1, 1]} : vector<8x1280xf32> to vector<8x640xf32>
      %slice3A_55 = vector.extract_strided_slice %get3A_4 {offsets = [0, 640], sizes = [8, 640], strides = [1, 1]} : vector<8x1280xf32> to vector<8x640xf32>
      %slice3A_56 = vector.extract_strided_slice %get3A_7 {offsets = [0, 640], sizes = [8, 640], strides = [1, 1]} : vector<8x1280xf32> to vector<8x640xf32>
      %gt3A = arith.cmpf ogt, %slice3A_47, %slice3A_52 : vector<8x640xf32>
      %eq3A = arith.cmpf oeq, %slice3A_47, %slice3A_52 : vector<8x640xf32>
      %lt3A_57 = arith.cmpi slt, %slice3A_48, %slice3A_53 : vector<8x640xi32>
      %and3A = arith.andi %eq3A, %lt3A_57 : vector<8x640xi1>
      %or3A = arith.ori %gt3A, %and3A : vector<8x640xi1>
      %select_n3A_58 = arith.select %or3A, %slice3A_47, %slice3A_52 : vector<8x640xi1>, vector<8x640xf32>
      %select_n3A_59 = arith.select %or3A, %slice3A_48, %slice3A_53 : vector<8x640xi1>, vector<8x640xi32>
      %select_n3A_60 = arith.select %or3A, %slice3A_49, %slice3A_54 : vector<8x640xi1>, vector<8x640xf32>
      %select_n3A_61 = arith.select %or3A, %slice3A_50, %slice3A_55 : vector<8x640xi1>, vector<8x640xf32>
      %select_n3A_62 = arith.select %or3A, %slice3A_51, %slice3A_56 : vector<8x640xi1>, vector<8x640xf32>
      %slice3A_63 = vector.extract_strided_slice %select_n3A_58 {offsets = [0, 0], sizes = [8, 256], strides = [1, 1]} : vector<8x640xf32> to vector<8x256xf32>
      %slice3A_64 = vector.extract_strided_slice %select_n3A_59 {offsets = [0, 0], sizes = [8, 256], strides = [1, 1]} : vector<8x640xi32> to vector<8x256xi32>
      %slice3A_65 = vector.extract_strided_slice %select_n3A_60 {offsets = [0, 0], sizes = [8, 256], strides = [1, 1]} : vector<8x640xf32> to vector<8x256xf32>
      %slice3A_66 = vector.extract_strided_slice %select_n3A_61 {offsets = [0, 0], sizes = [8, 256], strides = [1, 1]} : vector<8x640xf32> to vector<8x256xf32>
      %slice3A_67 = vector.extract_strided_slice %select_n3A_62 {offsets = [0, 0], sizes = [8, 256], strides = [1, 1]} : vector<8x640xf32> to vector<8x256xf32>
      %slice3A_68 = vector.extract_strided_slice %select_n3A_58 {offsets = [0, 256], sizes = [8, 256], strides = [1, 1]} : vector<8x640xf32> to vector<8x256xf32>
      %slice3A_69 = vector.extract_strided_slice %select_n3A_59 {offsets = [0, 256], sizes = [8, 256], strides = [1, 1]} : vector<8x640xi32> to vector<8x256xi32>
      %slice3A_70 = vector.extract_strided_slice %select_n3A_60 {offsets = [0, 256], sizes = [8, 256], strides = [1, 1]} : vector<8x640xf32> to vector<8x256xf32>
      %slice3A_71 = vector.extract_strided_slice %select_n3A_61 {offsets = [0, 256], sizes = [8, 256], strides = [1, 1]} : vector<8x640xf32> to vector<8x256xf32>
      %slice3A_72 = vector.extract_strided_slice %select_n3A_62 {offsets = [0, 256], sizes = [8, 256], strides = [1, 1]} : vector<8x640xf32> to vector<8x256xf32>
      %gt3A_73 = arith.cmpf ogt, %slice3A_63, %slice3A_68 : vector<8x256xf32>
      %eq3A_74 = arith.cmpf oeq, %slice3A_63, %slice3A_68 : vector<8x256xf32>
      %lt3A_75 = arith.cmpi slt, %slice3A_64, %slice3A_69 : vector<8x256xi32>
      %and3A_76 = arith.andi %eq3A_74, %lt3A_75 : vector<8x256xi1>
      %or3A_77 = arith.ori %gt3A_73, %and3A_76 : vector<8x256xi1>
      %select_n3A_78 = arith.select %or3A_77, %slice3A_63, %slice3A_68 : vector<8x256xi1>, vector<8x256xf32>
      %select_n3A_79 = arith.select %or3A_77, %slice3A_64, %slice3A_69 : vector<8x256xi1>, vector<8x256xi32>
      %select_n3A_80 = arith.select %or3A_77, %slice3A_65, %slice3A_70 : vector<8x256xi1>, vector<8x256xf32>
      %select_n3A_81 = arith.select %or3A_77, %slice3A_66, %slice3A_71 : vector<8x256xi1>, vector<8x256xf32>
      %select_n3A_82 = arith.select %or3A_77, %slice3A_67, %slice3A_72 : vector<8x256xi1>, vector<8x256xf32>
      %slice3A_83 = vector.extract_strided_slice %select_n3A_78 {offsets = [0, 0], sizes = [8, 128], strides = [1, 1]} : vector<8x256xf32> to vector<8x128xf32>
      %slice3A_84 = vector.extract_strided_slice %select_n3A_79 {offsets = [0, 0], sizes = [8, 128], strides = [1, 1]} : vector<8x256xi32> to vector<8x128xi32>
      %slice3A_85 = vector.extract_strided_slice %select_n3A_80 {offsets = [0, 0], sizes = [8, 128], strides = [1, 1]} : vector<8x256xf32> to vector<8x128xf32>
      %slice3A_86 = vector.extract_strided_slice %select_n3A_81 {offsets = [0, 0], sizes = [8, 128], strides = [1, 1]} : vector<8x256xf32> to vector<8x128xf32>
      %slice3A_87 = vector.extract_strided_slice %select_n3A_82 {offsets = [0, 0], sizes = [8, 128], strides = [1, 1]} : vector<8x256xf32> to vector<8x128xf32>
      %slice3A_88 = vector.extract_strided_slice %select_n3A_78 {offsets = [0, 128], sizes = [8, 128], strides = [1, 1]} : vector<8x256xf32> to vector<8x128xf32>
      %slice3A_89 = vector.extract_strided_slice %select_n3A_79 {offsets = [0, 128], sizes = [8, 128], strides = [1, 1]} : vector<8x256xi32> to vector<8x128xi32>
      %slice3A_90 = vector.extract_strided_slice %select_n3A_80 {offsets = [0, 128], sizes = [8, 128], strides = [1, 1]} : vector<8x256xf32> to vector<8x128xf32>
      %slice3A_91 = vector.extract_strided_slice %select_n3A_81 {offsets = [0, 128], sizes = [8, 128], strides = [1, 1]} : vector<8x256xf32> to vector<8x128xf32>
      %slice3A_92 = vector.extract_strided_slice %select_n3A_82 {offsets = [0, 128], sizes = [8, 128], strides = [1, 1]} : vector<8x256xf32> to vector<8x128xf32>
      %gt3A_93 = arith.cmpf ogt, %slice3A_83, %slice3A_88 : vector<8x128xf32>
      %eq3A_94 = arith.cmpf oeq, %slice3A_83, %slice3A_88 : vector<8x128xf32>
      %lt3A_95 = arith.cmpi slt, %slice3A_84, %slice3A_89 : vector<8x128xi32>
      %and3A_96 = arith.andi %eq3A_94, %lt3A_95 : vector<8x128xi1>
      %or3A_97 = arith.ori %gt3A_93, %and3A_96 : vector<8x128xi1>
      %select_n3A_98 = arith.select %or3A_97, %slice3A_83, %slice3A_88 : vector<8x128xi1>, vector<8x128xf32>
      %select_n3A_99 = arith.select %or3A_97, %slice3A_84, %slice3A_89 : vector<8x128xi1>, vector<8x128xi32>
      %select_n3A_100 = arith.select %or3A_97, %slice3A_85, %slice3A_90 : vector<8x128xi1>, vector<8x128xf32>
      %select_n3A_101 = arith.select %or3A_97, %slice3A_86, %slice3A_91 : vector<8x128xi1>, vector<8x128xf32>
      %select_n3A_102 = arith.select %or3A_97, %slice3A_87, %slice3A_92 : vector<8x128xi1>, vector<8x128xf32>
      %slice3A_103 = vector.extract_strided_slice %select_n3A_58 {offsets = [0, 512], sizes = [8, 128], strides = [1, 1]} : vector<8x640xf32> to vector<8x128xf32>
      %slice3A_104 = vector.extract_strided_slice %select_n3A_59 {offsets = [0, 512], sizes = [8, 128], strides = [1, 1]} : vector<8x640xi32> to vector<8x128xi32>
      %slice3A_105 = vector.extract_strided_slice %select_n3A_60 {offsets = [0, 512], sizes = [8, 128], strides = [1, 1]} : vector<8x640xf32> to vector<8x128xf32>
      %slice3A_106 = vector.extract_strided_slice %select_n3A_61 {offsets = [0, 512], sizes = [8, 128], strides = [1, 1]} : vector<8x640xf32> to vector<8x128xf32>
      %slice3A_107 = vector.extract_strided_slice %select_n3A_62 {offsets = [0, 512], sizes = [8, 128], strides = [1, 1]} : vector<8x640xf32> to vector<8x128xf32>
      %gt3A_108 = arith.cmpf ogt, %select_n3A_98, %slice3A_103 : vector<8x128xf32>
      %eq3A_109 = arith.cmpf oeq, %select_n3A_98, %slice3A_103 : vector<8x128xf32>
      %lt3A_110 = arith.cmpi slt, %select_n3A_99, %slice3A_104 : vector<8x128xi32>
      %and3A_111 = arith.andi %eq3A_109, %lt3A_110 : vector<8x128xi1>
      %or3A_112 = arith.ori %gt3A_108, %and3A_111 : vector<8x128xi1>
      %select_n3A_113 = arith.select %or3A_112, %select_n3A_98, %slice3A_103 : vector<8x128xi1>, vector<8x128xf32>
      %select_n3A_114 = arith.select %or3A_112, %select_n3A_99, %slice3A_104 : vector<8x128xi1>, vector<8x128xi32>
      %select_n3A_115 = arith.select %or3A_112, %select_n3A_100, %slice3A_105 : vector<8x128xi1>, vector<8x128xf32>
      %select_n3A_116 = arith.select %or3A_112, %select_n3A_101, %slice3A_106 : vector<8x128xi1>, vector<8x128xf32>
      %select_n3A_117 = arith.select %or3A_112, %select_n3A_102, %slice3A_107 : vector<8x128xi1>, vector<8x128xf32>
      %reduce_max3A = vector.shape_cast %select_n3A_113 : vector<8x128xf32> to vector<1x8x128xf32>
      %reduce_max3A_118 = arith.constant dense<0xFF800000> : vector<1xf32>
      %reduce_max3A_119 = vector.multi_reduction <maximumf>, %reduce_max3A, %reduce_max3A_118 [1, 2] : vector<1x8x128xf32> to vector<1xf32>
      %reduce_max3A_120 = vector.shape_cast %reduce_max3A_119 : vector<1xf32> to vector<1x1x1xf32>
      %reduce_max3A_121 = vector.extract %reduce_max3A_120[0, 0, 0] : f32 from vector<1x1x1xf32>
      %eq3A_122 = vector.broadcast %reduce_max3A_121 : f32 to vector<8x128xf32>
      %eq3A_123 = arith.cmpf oeq, %select_n3A_113, %eq3A_122 : vector<8x128xf32>
      %convert_element_type3A = arith.extui %eq3A_123 : vector<8x128xi1> to vector<8x128xi32>
      %convert_element_type3A_124 = arith.sitofp %convert_element_type3A : vector<8x128xi32> to vector<8x128xf32>
      %convert_element_type3A_125 = arith.sitofp %select_n3A_114 : vector<8x128xi32> to vector<8x128xf32>
      %mul3A_126 = arith.mulf %convert_element_type3A_124, %convert_element_type3A_125 : vector<8x128xf32>
      %mul3A_127 = arith.mulf %convert_element_type3A_124, %select_n3A_115 : vector<8x128xf32>
      %mul3A_128 = arith.mulf %convert_element_type3A_124, %select_n3A_116 : vector<8x128xf32>
      %mul3A_129 = arith.mulf %convert_element_type3A_124, %select_n3A_117 : vector<8x128xf32>
      %concatenate3A = tpu.concatenate %convert_element_type3A_124, %mul3A_126, %mul3A_127, %mul3A_128, %mul3A_129 in 0 : vector<8x128xf32>, vector<8x128xf32>, vector<8x128xf32>, vector<8x128xf32>, vector<8x128xf32> -> vector<40x128xf32>
      %dot_general3A = arith.constant dense<0.000000e+00> : vector<40x8xf32>
      %dot_general3A_130 = tpu.matmul %concatenate3A, %broadcast_in_dim3A_25, %dot_general3A {dimension_numbers = #tpu.dot_dimension_numbers<[1], [0], [0], [1], [0, 0, 1, 1], [], []>, precision = #tpu.contract_precision<fp32>, transpose_lhs_hint = false} : vector<40x128xf32>, vector<128x8xf32>, vector<40x8xf32> -> vector<40x8xf32>
      %slice3A_131 = vector.extract_strided_slice %dot_general3A_130 {offsets = [0, 0], sizes = [4, 1], strides = [1, 1]} : vector<40x8xf32> to vector<4x1xf32>
      %slice3A_132 = vector.extract_strided_slice %dot_general3A_130 {offsets = [4, 0], sizes = [4, 1], strides = [1, 1]} : vector<40x8xf32> to vector<4x1xf32>
      %add3A_133 = arith.addf %slice3A_131, %slice3A_132 : vector<4x1xf32>
      %slice3A_134 = vector.extract_strided_slice %add3A_133 {offsets = [0, 0], sizes = [2, 1], strides = [1, 1]} : vector<4x1xf32> to vector<2x1xf32>
      %slice3A_135 = vector.extract_strided_slice %add3A_133 {offsets = [2, 0], sizes = [2, 1], strides = [1, 1]} : vector<4x1xf32> to vector<2x1xf32>
      %add3A_136 = arith.addf %slice3A_134, %slice3A_135 : vector<2x1xf32>
      %slice3A_137 = vector.extract_strided_slice %add3A_136 {offsets = [0, 0], sizes = [1, 1], strides = [1, 1]} : vector<2x1xf32> to vector<1x1xf32>
      %slice3A_138 = vector.extract_strided_slice %add3A_136 {offsets = [1, 0], sizes = [1, 1], strides = [1, 1]} : vector<2x1xf32> to vector<1x1xf32>
      %add3A_139 = arith.addf %slice3A_137, %slice3A_138 : vector<1x1xf32>
      %squeeze3A_140 = vector.extract %add3A_139[0, 0] : f32 from vector<1x1xf32>
      %lt3A_141 = arith.constant 1.500000e+00 : f32
      %lt3A_142 = arith.cmpf olt, %squeeze3A_140, %lt3A_141 : f32
      %convert_element_type3A_143 = arith.extui %lt3A_142 : i1 to i32
      %cond3A = arith.constant 0 : i32
      %cond3A_144 = arith.cmpi ne, %convert_element_type3A_143, %cond3A : i32
      %cond3A_145:4 = scf.if %cond3A_144 -> (i32, f32, f32, f32) {
        %slice3A_148 = vector.extract_strided_slice %dot_general3A_130 {offsets = [8, 0], sizes = [4, 1], strides = [1, 1]} : vector<40x8xf32> to vector<4x1xf32>
        %slice3A_149 = vector.extract_strided_slice %dot_general3A_130 {offsets = [12, 0], sizes = [4, 1], strides = [1, 1]} : vector<40x8xf32> to vector<4x1xf32>
        %add3A_150 = arith.addf %slice3A_148, %slice3A_149 : vector<4x1xf32>
        %slice3A_151 = vector.extract_strided_slice %add3A_150 {offsets = [0, 0], sizes = [2, 1], strides = [1, 1]} : vector<4x1xf32> to vector<2x1xf32>
        %slice3A_152 = vector.extract_strided_slice %add3A_150 {offsets = [2, 0], sizes = [2, 1], strides = [1, 1]} : vector<4x1xf32> to vector<2x1xf32>
        %add3A_153 = arith.addf %slice3A_151, %slice3A_152 : vector<2x1xf32>
        %slice3A_154 = vector.extract_strided_slice %add3A_153 {offsets = [0, 0], sizes = [1, 1], strides = [1, 1]} : vector<2x1xf32> to vector<1x1xf32>
        %slice3A_155 = vector.extract_strided_slice %add3A_153 {offsets = [1, 0], sizes = [1, 1], strides = [1, 1]} : vector<2x1xf32> to vector<1x1xf32>
        %add3A_156 = arith.addf %slice3A_154, %slice3A_155 : vector<1x1xf32>
        %squeeze3A_157 = vector.extract %add3A_156[0, 0] : f32 from vector<1x1xf32>
        %convert_element_type3A_158 = arith.fptosi %squeeze3A_157 : f32 to i32
        %slice3A_159 = vector.extract_strided_slice %dot_general3A_130 {offsets = [16, 0], sizes = [4, 1], strides = [1, 1]} : vector<40x8xf32> to vector<4x1xf32>
        %slice3A_160 = vector.extract_strided_slice %dot_general3A_130 {offsets = [20, 0], sizes = [4, 1], strides = [1, 1]} : vector<40x8xf32> to vector<4x1xf32>
        %add3A_161 = arith.addf %slice3A_159, %slice3A_160 : vector<4x1xf32>
        %slice3A_162 = vector.extract_strided_slice %add3A_161 {offsets = [0, 0], sizes = [2, 1], strides = [1, 1]} : vector<4x1xf32> to vector<2x1xf32>
        %slice3A_163 = vector.extract_strided_slice %add3A_161 {offsets = [2, 0], sizes = [2, 1], strides = [1, 1]} : vector<4x1xf32> to vector<2x1xf32>
        %add3A_164 = arith.addf %slice3A_162, %slice3A_163 : vector<2x1xf32>
        %slice3A_165 = vector.extract_strided_slice %add3A_164 {offsets = [0, 0], sizes = [1, 1], strides = [1, 1]} : vector<2x1xf32> to vector<1x1xf32>
        %slice3A_166 = vector.extract_strided_slice %add3A_164 {offsets = [1, 0], sizes = [1, 1], strides = [1, 1]} : vector<2x1xf32> to vector<1x1xf32>
        %add3A_167 = arith.addf %slice3A_165, %slice3A_166 : vector<1x1xf32>
        %squeeze3A_168 = vector.extract %add3A_167[0, 0] : f32 from vector<1x1xf32>
        %slice3A_169 = vector.extract_strided_slice %dot_general3A_130 {offsets = [24, 0], sizes = [4, 1], strides = [1, 1]} : vector<40x8xf32> to vector<4x1xf32>
        %slice3A_170 = vector.extract_strided_slice %dot_general3A_130 {offsets = [28, 0], sizes = [4, 1], strides = [1, 1]} : vector<40x8xf32> to vector<4x1xf32>
        %add3A_171 = arith.addf %slice3A_169, %slice3A_170 : vector<4x1xf32>
        %slice3A_172 = vector.extract_strided_slice %add3A_171 {offsets = [0, 0], sizes = [2, 1], strides = [1, 1]} : vector<4x1xf32> to vector<2x1xf32>
        %slice3A_173 = vector.extract_strided_slice %add3A_171 {offsets = [2, 0], sizes = [2, 1], strides = [1, 1]} : vector<4x1xf32> to vector<2x1xf32>
        %add3A_174 = arith.addf %slice3A_172, %slice3A_173 : vector<2x1xf32>
        %slice3A_175 = vector.extract_strided_slice %add3A_174 {offsets = [0, 0], sizes = [1, 1], strides = [1, 1]} : vector<2x1xf32> to vector<1x1xf32>
        %slice3A_176 = vector.extract_strided_slice %add3A_174 {offsets = [1, 0], sizes = [1, 1], strides = [1, 1]} : vector<2x1xf32> to vector<1x1xf32>
        %add3A_177 = arith.addf %slice3A_175, %slice3A_176 : vector<1x1xf32>
        %squeeze3A_178 = vector.extract %add3A_177[0, 0] : f32 from vector<1x1xf32>
        %slice3A_179 = vector.extract_strided_slice %dot_general3A_130 {offsets = [32, 0], sizes = [4, 1], strides = [1, 1]} : vector<40x8xf32> to vector<4x1xf32>
        %slice3A_180 = vector.extract_strided_slice %dot_general3A_130 {offsets = [36, 0], sizes = [4, 1], strides = [1, 1]} : vector<40x8xf32> to vector<4x1xf32>
        %add3A_181 = arith.addf %slice3A_179, %slice3A_180 : vector<4x1xf32>
        %slice3A_182 = vector.extract_strided_slice %add3A_181 {offsets = [0, 0], sizes = [2, 1], strides = [1, 1]} : vector<4x1xf32> to vector<2x1xf32>
        %slice3A_183 = vector.extract_strided_slice %add3A_181 {offsets = [2, 0], sizes = [2, 1], strides = [1, 1]} : vector<4x1xf32> to vector<2x1xf32>
        %add3A_184 = arith.addf %slice3A_182, %slice3A_183 : vector<2x1xf32>
        %slice3A_185 = vector.extract_strided_slice %add3A_184 {offsets = [0, 0], sizes = [1, 1], strides = [1, 1]} : vector<2x1xf32> to vector<1x1xf32>
        %slice3A_186 = vector.extract_strided_slice %add3A_184 {offsets = [1, 0], sizes = [1, 1], strides = [1, 1]} : vector<2x1xf32> to vector<1x1xf32>
        %add3A_187 = arith.addf %slice3A_185, %slice3A_186 : vector<1x1xf32>
        %squeeze3A_188 = vector.extract %add3A_187[0, 0] : f32 from vector<1x1xf32>
        scf.yield %convert_element_type3A_158, %squeeze3A_168, %squeeze3A_178, %squeeze3A_188 : i32, f32, f32, f32
      } else {
        %jit3A_148 = arith.constant 10240 : i32
        %broadcast_in_dim3A_149 = vector.broadcast %jit3A_148 : i32 to vector<8x128xi32>
        %select_n3A_150 = arith.select %eq3A_123, %select_n3A_114, %broadcast_in_dim3A_149 : vector<8x128xi1>, vector<8x128xi32>
        %reduce_min3A = vector.shape_cast %select_n3A_150 : vector<8x128xi32> to vector<1x8x128xi32>
        %reduce_min3A_151 = arith.constant dense<2147483647> : vector<1xi32>
        %reduce_min3A_152 = vector.multi_reduction <minsi>, %reduce_min3A, %reduce_min3A_151 [1, 2] : vector<1x8x128xi32> to vector<1xi32>
        %reduce_min3A_153 = vector.shape_cast %reduce_min3A_152 : vector<1xi32> to vector<1x1x1xi32>
        %reduce_min3A_154 = vector.extract %reduce_min3A_153[0, 0, 0] : i32 from vector<1x1x1xi32>
        %eq3A_155 = vector.broadcast %reduce_min3A_154 : i32 to vector<8x128xi32>
        %eq3A_156 = arith.cmpi eq, %select_n3A_114, %eq3A_155 : vector<8x128xi32>
        %broadcast_in_dim3A_157 = vector.broadcast %scan3A : f32 to vector<8x128xf32>
        %select_n3A_158 = arith.select %eq3A_156, %select_n3A_115, %broadcast_in_dim3A_157 : vector<8x128xi1>, vector<8x128xf32>
        %reduce_max3A_159 = vector.shape_cast %select_n3A_158 : vector<8x128xf32> to vector<1x8x128xf32>
        %reduce_max3A_160 = arith.constant dense<0xFF800000> : vector<1xf32>
        %reduce_max3A_161 = vector.multi_reduction <maximumf>, %reduce_max3A_159, %reduce_max3A_160 [1, 2] : vector<1x8x128xf32> to vector<1xf32>
        %reduce_max3A_162 = vector.shape_cast %reduce_max3A_161 : vector<1xf32> to vector<1x1x1xf32>
        %reduce_max3A_163 = vector.extract %reduce_max3A_162[0, 0, 0] : f32 from vector<1x1x1xf32>
        %broadcast_in_dim3A_164 = vector.broadcast %scan3A : f32 to vector<8x128xf32>
        %select_n3A_165 = arith.select %eq3A_156, %select_n3A_116, %broadcast_in_dim3A_164 : vector<8x128xi1>, vector<8x128xf32>
        %reduce_max3A_166 = vector.shape_cast %select_n3A_165 : vector<8x128xf32> to vector<1x8x128xf32>
        %reduce_max3A_167 = arith.constant dense<0xFF800000> : vector<1xf32>
        %reduce_max3A_168 = vector.multi_reduction <maximumf>, %reduce_max3A_166, %reduce_max3A_167 [1, 2] : vector<1x8x128xf32> to vector<1xf32>
        %reduce_max3A_169 = vector.shape_cast %reduce_max3A_168 : vector<1xf32> to vector<1x1x1xf32>
        %reduce_max3A_170 = vector.extract %reduce_max3A_169[0, 0, 0] : f32 from vector<1x1x1xf32>
        %broadcast_in_dim3A_171 = vector.broadcast %scan3A : f32 to vector<8x128xf32>
        %select_n3A_172 = arith.select %eq3A_156, %select_n3A_117, %broadcast_in_dim3A_171 : vector<8x128xi1>, vector<8x128xf32>
        %reduce_max3A_173 = vector.shape_cast %select_n3A_172 : vector<8x128xf32> to vector<1x8x128xf32>
        %reduce_max3A_174 = arith.constant dense<0xFF800000> : vector<1xf32>
        %reduce_max3A_175 = vector.multi_reduction <maximumf>, %reduce_max3A_173, %reduce_max3A_174 [1, 2] : vector<1x8x128xf32> to vector<1xf32>
        %reduce_max3A_176 = vector.shape_cast %reduce_max3A_175 : vector<1xf32> to vector<1x1x1xf32>
        %reduce_max3A_177 = vector.extract %reduce_max3A_176[0, 0, 0] : f32 from vector<1x1x1xf32>
        scf.yield %reduce_min3A_154, %reduce_max3A_163, %reduce_max3A_170, %reduce_max3A_177 : i32, f32, f32, f32
      }
      %swap3A_146 = arith.index_cast %scan3A_32 : i32 to index
      %swap3A_147 = memref.load %arg4[%swap3A_146] : memref<2500xi32, #tpu.memory_space<smem>>
      memref.store %cond3A_145#0, %arg4[%swap3A_146] : memref<2500xi32, #tpu.memory_space<smem>>
      scf.yield %min3A, %cond3A_145#1, %cond3A_145#2, %cond3A_145#3 : vector<8x1280xf32>, f32, f32, f32
    }
    %scan3A_31 = arith.constant 2499 : i32
    return
  }
}

module attributes {stable_mosaic.version = 14 : i64} {
  func.func @_knn_body(%arg0: i32, %arg1: memref<128xi32, #tpu.memory_space<smem>>, %arg2: memref<10240x8xf32, #tpu.memory_space<vmem>>, %arg3: memref<8x10240xf32, #tpu.memory_space<vmem>>, %arg4: memref<128x16xi32, #tpu.memory_space<vmem>>, %arg5: memref<128x10240xf32, #tpu.memory_space<vmem>>, %arg6: memref<128x8xf32, #tpu.memory_space<vmem>>) attributes {dimension_semantics = [#tpu.dimension_semantics<arbitrary>], iteration_bounds = array<i64: 20>, scalar_prefetch = 0 : i64, scratch_operands = 2 : i64, tpu.core_type = #tpu.core_type<tc>, window_params = [{transform_indices = @transform_0, window_bounds = array<i64: 128>}, {pipeline_mode = #tpu.pipeline_mode<synchronous>, transform_indices = @transform_1, window_bounds = array<i64: 10240, 8>}, {pipeline_mode = #tpu.pipeline_mode<synchronous>, transform_indices = @transform_2, window_bounds = array<i64: 8, 10240>}, {transform_indices = @transform_3, window_bounds = array<i64: 128, 16>}]} {
    %scan3A = arith.constant 0 : i32
    %scan3A_0 = arith.constant 128 : i32
    %scan3A_1 = arith.addi %scan3A, %scan3A_0 : i32
    %scan3A_2 = arith.constant 1 : i32
    scf.for %scan3A_409 = %scan3A to %scan3A_1 step %scan3A_2  : i32 {
      %get3A_410 = arith.index_cast %scan3A_409 : i32 to index
      %get3A_411 = memref.load %arg1[%get3A_410] : memref<128xi32, #tpu.memory_space<smem>>
      %get3A_412 = arith.index_cast %get3A_411 : i32 to index
      %get3A_413 = arith.constant 0 : index
      %get3A_414 = vector.load %arg2[%get3A_412, %get3A_413] : memref<10240x8xf32, #tpu.memory_space<vmem>>, vector<1x8xf32>
      %swap3A_415 = arith.index_cast %scan3A_409 : i32 to index
      %swap3A_416 = arith.constant 0 : index
      %swap3A_417 = vector.load %arg6[%swap3A_415, %swap3A_416] : memref<128x8xf32, #tpu.memory_space<vmem>>, vector<1x8xf32>
      tpu.vector_store %arg6[%swap3A_415, %swap3A_416], %get3A_414 {strides = array<i32>} : memref<128x8xf32, #tpu.memory_space<vmem>>, vector<1x8xf32>,
    }
    %scan3A_3 = arith.constant 128 : i32
    %get3A = arith.constant 0 : index
    %get3A_4 = arith.constant 0 : index
    %get3A_5 = vector.load %arg6[%get3A, %get3A_4] : memref<128x8xf32, #tpu.memory_space<vmem>>, vector<128x8xf32>
    %get3A_6 = arith.constant 0 : index
    %get3A_7 = arith.constant 0 : index
    %get3A_8 = vector.load %arg3[%get3A_6, %get3A_7] : memref<8x10240xf32, #tpu.memory_space<vmem>>, vector<8x10240xf32>
    %dot_general3A = arith.constant dense<0.000000e+00> : vector<128x10240xf32>
    %dot_general3A_9 = tpu.matmul %get3A_5, %get3A_8, %dot_general3A {dimension_numbers = #tpu.dot_dimension_numbers<[1], [0], [0], [1], [0, 0, 1, 1], [], []>, precision = #tpu.contract_precision<fp32>, transpose_lhs_hint = false} : vector<128x8xf32>, vector<8x10240xf32>, vector<128x10240xf32> -> vector<128x10240xf32>
    %mul3A = arith.constant -2.000000e+00 : f32
    %mul3A_10 = vector.broadcast %mul3A : f32 to vector<128x10240xf32>
    %mul3A_11 = arith.mulf %mul3A_10, %dot_general3A_9 : vector<128x10240xf32>
    %swap3A = arith.constant 0 : index
    %swap3A_12 = arith.constant 0 : index
    %swap3A_13 = vector.load %arg5[%swap3A, %swap3A_12] : memref<128x10240xf32, #tpu.memory_space<vmem>>, vector<128x10240xf32>
    tpu.vector_store %arg5[%swap3A, %swap3A_12], %mul3A_11 {strides = array<i32>} : memref<128x10240xf32, #tpu.memory_space<vmem>>, vector<128x10240xf32>,
    %iota3A = tpu.iota {dimensions = array<i32: 1>} : vector<128x10240xi32>
    %get3A_14 = arith.constant 0 : index
    %get3A_15 = arith.constant 0 : index
    %get3A_16 = vector.load %arg5[%get3A_14, %get3A_15] : memref<128x10240xf32, #tpu.memory_space<vmem>>, vector<128x10240xf32>
    %reduce_min3A = arith.constant dense<0x7F800000> : vector<128xf32>
    %reduce_min3A_17 = vector.multi_reduction <minimumf>, %get3A_16, %reduce_min3A [1] : vector<128x10240xf32> to vector<128xf32>
    %broadcast_in_dim3A = vector.shape_cast %reduce_min3A_17 : vector<128xf32> to vector<128x1xf32>
    %eq3A = vector.broadcast %broadcast_in_dim3A : vector<128x1xf32> to vector<128x10240xf32>
    %eq3A_18 = arith.cmpf oeq, %get3A_16, %eq3A : vector<128x10240xf32>
    %jit3A = arith.constant 10240 : i32
    %broadcast_in_dim3A_19 = vector.broadcast %jit3A : i32 to vector<128x10240xi32>
    %select_n3A = arith.select %eq3A_18, %iota3A, %broadcast_in_dim3A_19 : vector<128x10240xi1>, vector<128x10240xi32>
    %reduce_min3A_20 = arith.constant dense<2147483647> : vector<128xi32>
    %reduce_min3A_21 = vector.multi_reduction <minsi>, %select_n3A, %reduce_min3A_20 [1] : vector<128x10240xi32> to vector<128xi32>
    %broadcast_in_dim3A_22 = vector.shape_cast %reduce_min3A_21 : vector<128xi32> to vector<128x1xi32>
    %swap3A_23 = arith.constant 0 : index
    %swap3A_24 = arith.constant 0 : index
    %swap3A_25 = vector.load %arg4[%swap3A_23, %swap3A_24] : memref<128x16xi32, #tpu.memory_space<vmem>>, vector<128x1xi32>
    tpu.vector_store %arg4[%swap3A_23, %swap3A_24], %broadcast_in_dim3A_22 {strides = array<i32>} : memref<128x16xi32, #tpu.memory_space<vmem>>, vector<128x1xi32>,
    %eq3A_26 = vector.broadcast %broadcast_in_dim3A_22 : vector<128x1xi32> to vector<128x10240xi32>
    %eq3A_27 = arith.cmpi eq, %iota3A, %eq3A_26 : vector<128x10240xi32>
    %jit3A_28 = arith.constant 3.000000e+30 : f32
    %broadcast_in_dim3A_29 = vector.broadcast %jit3A_28 : f32 to vector<128x10240xf32>
    %select_n3A_30 = arith.select %eq3A_27, %broadcast_in_dim3A_29, %get3A_16 : vector<128x10240xi1>, vector<128x10240xf32>
    %swap3A_31 = arith.constant 0 : index
    %swap3A_32 = arith.constant 0 : index
    %swap3A_33 = vector.load %arg5[%swap3A_31, %swap3A_32] : memref<128x10240xf32, #tpu.memory_space<vmem>>, vector<128x10240xf32>
    tpu.vector_store %arg5[%swap3A_31, %swap3A_32], %select_n3A_30 {strides = array<i32>} : memref<128x10240xf32, #tpu.memory_space<vmem>>, vector<128x10240xf32>,
    %get3A_34 = arith.constant 0 : index
    %get3A_35 = arith.constant 0 : index
    %get3A_36 = vector.load %arg5[%get3A_34, %get3A_35] : memref<128x10240xf32, #tpu.memory_space<vmem>>, vector<128x10240xf32>
    %reduce_min3A_37 = arith.constant dense<0x7F800000> : vector<128xf32>
    %reduce_min3A_38 = vector.multi_reduction <minimumf>, %get3A_36, %reduce_min3A_37 [1] : vector<128x10240xf32> to vector<128xf32>
    %broadcast_in_dim3A_39 = vector.shape_cast %reduce_min3A_38 : vector<128xf32> to vector<128x1xf32>
    %eq3A_40 = vector.broadcast %broadcast_in_dim3A_39 : vector<128x1xf32> to vector<128x10240xf32>
    %eq3A_41 = arith.cmpf oeq, %get3A_36, %eq3A_40 : vector<128x10240xf32>
    %jit3A_42 = arith.constant 10240 : i32
    %broadcast_in_dim3A_43 = vector.broadcast %jit3A_42 : i32 to vector<128x10240xi32>
    %select_n3A_44 = arith.select %eq3A_41, %iota3A, %broadcast_in_dim3A_43 : vector<128x10240xi1>, vector<128x10240xi32>
    %reduce_min3A_45 = arith.constant dense<2147483647> : vector<128xi32>
    %reduce_min3A_46 = vector.multi_reduction <minsi>, %select_n3A_44, %reduce_min3A_45 [1] : vector<128x10240xi32> to vector<128xi32>
    %broadcast_in_dim3A_47 = vector.shape_cast %reduce_min3A_46 : vector<128xi32> to vector<128x1xi32>
    %swap3A_48 = arith.constant 0 : index
    %swap3A_49 = arith.constant 1 : index
    %swap3A_50 = vector.load %arg4[%swap3A_48, %swap3A_49] : memref<128x16xi32, #tpu.memory_space<vmem>>, vector<128x1xi32>
    tpu.vector_store %arg4[%swap3A_48, %swap3A_49], %broadcast_in_dim3A_47 {strides = array<i32>} : memref<128x16xi32, #tpu.memory_space<vmem>>, vector<128x1xi32>,
    %eq3A_51 = vector.broadcast %broadcast_in_dim3A_47 : vector<128x1xi32> to vector<128x10240xi32>
    %eq3A_52 = arith.cmpi eq, %iota3A, %eq3A_51 : vector<128x10240xi32>
    %jit3A_53 = arith.constant 3.000000e+30 : f32
    %broadcast_in_dim3A_54 = vector.broadcast %jit3A_53 : f32 to vector<128x10240xf32>
    %select_n3A_55 = arith.select %eq3A_52, %broadcast_in_dim3A_54, %get3A_36 : vector<128x10240xi1>, vector<128x10240xf32>
    %swap3A_56 = arith.constant 0 : index
    %swap3A_57 = arith.constant 0 : index
    %swap3A_58 = vector.load %arg5[%swap3A_56, %swap3A_57] : memref<128x10240xf32, #tpu.memory_space<vmem>>, vector<128x10240xf32>
    tpu.vector_store %arg5[%swap3A_56, %swap3A_57], %select_n3A_55 {strides = array<i32>} : memref<128x10240xf32, #tpu.memory_space<vmem>>, vector<128x10240xf32>,
    %get3A_59 = arith.constant 0 : index
    %get3A_60 = arith.constant 0 : index
    %get3A_61 = vector.load %arg5[%get3A_59, %get3A_60] : memref<128x10240xf32, #tpu.memory_space<vmem>>, vector<128x10240xf32>
    %reduce_min3A_62 = arith.constant dense<0x7F800000> : vector<128xf32>
    %reduce_min3A_63 = vector.multi_reduction <minimumf>, %get3A_61, %reduce_min3A_62 [1] : vector<128x10240xf32> to vector<128xf32>
    %broadcast_in_dim3A_64 = vector.shape_cast %reduce_min3A_63 : vector<128xf32> to vector<128x1xf32>
    %eq3A_65 = vector.broadcast %broadcast_in_dim3A_64 : vector<128x1xf32> to vector<128x10240xf32>
    %eq3A_66 = arith.cmpf oeq, %get3A_61, %eq3A_65 : vector<128x10240xf32>
    %jit3A_67 = arith.constant 10240 : i32
    %broadcast_in_dim3A_68 = vector.broadcast %jit3A_67 : i32 to vector<128x10240xi32>
    %select_n3A_69 = arith.select %eq3A_66, %iota3A, %broadcast_in_dim3A_68 : vector<128x10240xi1>, vector<128x10240xi32>
    %reduce_min3A_70 = arith.constant dense<2147483647> : vector<128xi32>
    %reduce_min3A_71 = vector.multi_reduction <minsi>, %select_n3A_69, %reduce_min3A_70 [1] : vector<128x10240xi32> to vector<128xi32>
    %broadcast_in_dim3A_72 = vector.shape_cast %reduce_min3A_71 : vector<128xi32> to vector<128x1xi32>
    %swap3A_73 = arith.constant 0 : index
    %swap3A_74 = arith.constant 2 : index
    %swap3A_75 = vector.load %arg4[%swap3A_73, %swap3A_74] : memref<128x16xi32, #tpu.memory_space<vmem>>, vector<128x1xi32>
    tpu.vector_store %arg4[%swap3A_73, %swap3A_74], %broadcast_in_dim3A_72 {strides = array<i32>} : memref<128x16xi32, #tpu.memory_space<vmem>>, vector<128x1xi32>,
    %eq3A_76 = vector.broadcast %broadcast_in_dim3A_72 : vector<128x1xi32> to vector<128x10240xi32>
    %eq3A_77 = arith.cmpi eq, %iota3A, %eq3A_76 : vector<128x10240xi32>
    %jit3A_78 = arith.constant 3.000000e+30 : f32
    %broadcast_in_dim3A_79 = vector.broadcast %jit3A_78 : f32 to vector<128x10240xf32>
    %select_n3A_80 = arith.select %eq3A_77, %broadcast_in_dim3A_79, %get3A_61 : vector<128x10240xi1>, vector<128x10240xf32>
    %swap3A_81 = arith.constant 0 : index
    %swap3A_82 = arith.constant 0 : index
    %swap3A_83 = vector.load %arg5[%swap3A_81, %swap3A_82] : memref<128x10240xf32, #tpu.memory_space<vmem>>, vector<128x10240xf32>
    tpu.vector_store %arg5[%swap3A_81, %swap3A_82], %select_n3A_80 {strides = array<i32>} : memref<128x10240xf32, #tpu.memory_space<vmem>>, vector<128x10240xf32>,
    %get3A_84 = arith.constant 0 : index
    %get3A_85 = arith.constant 0 : index
    %get3A_86 = vector.load %arg5[%get3A_84, %get3A_85] : memref<128x10240xf32, #tpu.memory_space<vmem>>, vector<128x10240xf32>
    %reduce_min3A_87 = arith.constant dense<0x7F800000> : vector<128xf32>
    %reduce_min3A_88 = vector.multi_reduction <minimumf>, %get3A_86, %reduce_min3A_87 [1] : vector<128x10240xf32> to vector<128xf32>
    %broadcast_in_dim3A_89 = vector.shape_cast %reduce_min3A_88 : vector<128xf32> to vector<128x1xf32>
    %eq3A_90 = vector.broadcast %broadcast_in_dim3A_89 : vector<128x1xf32> to vector<128x10240xf32>
    %eq3A_91 = arith.cmpf oeq, %get3A_86, %eq3A_90 : vector<128x10240xf32>
    %jit3A_92 = arith.constant 10240 : i32
    %broadcast_in_dim3A_93 = vector.broadcast %jit3A_92 : i32 to vector<128x10240xi32>
    %select_n3A_94 = arith.select %eq3A_91, %iota3A, %broadcast_in_dim3A_93 : vector<128x10240xi1>, vector<128x10240xi32>
    %reduce_min3A_95 = arith.constant dense<2147483647> : vector<128xi32>
    %reduce_min3A_96 = vector.multi_reduction <minsi>, %select_n3A_94, %reduce_min3A_95 [1] : vector<128x10240xi32> to vector<128xi32>
    %broadcast_in_dim3A_97 = vector.shape_cast %reduce_min3A_96 : vector<128xi32> to vector<128x1xi32>
    %swap3A_98 = arith.constant 0 : index
    %swap3A_99 = arith.constant 3 : index
    %swap3A_100 = vector.load %arg4[%swap3A_98, %swap3A_99] : memref<128x16xi32, #tpu.memory_space<vmem>>, vector<128x1xi32>
    tpu.vector_store %arg4[%swap3A_98, %swap3A_99], %broadcast_in_dim3A_97 {strides = array<i32>} : memref<128x16xi32, #tpu.memory_space<vmem>>, vector<128x1xi32>,
    %eq3A_101 = vector.broadcast %broadcast_in_dim3A_97 : vector<128x1xi32> to vector<128x10240xi32>
    %eq3A_102 = arith.cmpi eq, %iota3A, %eq3A_101 : vector<128x10240xi32>
    %jit3A_103 = arith.constant 3.000000e+30 : f32
    %broadcast_in_dim3A_104 = vector.broadcast %jit3A_103 : f32 to vector<128x10240xf32>
    %select_n3A_105 = arith.select %eq3A_102, %broadcast_in_dim3A_104, %get3A_86 : vector<128x10240xi1>, vector<128x10240xf32>
    %swap3A_106 = arith.constant 0 : index
    %swap3A_107 = arith.constant 0 : index
    %swap3A_108 = vector.load %arg5[%swap3A_106, %swap3A_107] : memref<128x10240xf32, #tpu.memory_space<vmem>>, vector<128x10240xf32>
    tpu.vector_store %arg5[%swap3A_106, %swap3A_107], %select_n3A_105 {strides = array<i32>} : memref<128x10240xf32, #tpu.memory_space<vmem>>, vector<128x10240xf32>,
    %get3A_109 = arith.constant 0 : index
    %get3A_110 = arith.constant 0 : index
    %get3A_111 = vector.load %arg5[%get3A_109, %get3A_110] : memref<128x10240xf32, #tpu.memory_space<vmem>>, vector<128x10240xf32>
    %reduce_min3A_112 = arith.constant dense<0x7F800000> : vector<128xf32>
    %reduce_min3A_113 = vector.multi_reduction <minimumf>, %get3A_111, %reduce_min3A_112 [1] : vector<128x10240xf32> to vector<128xf32>
    %broadcast_in_dim3A_114 = vector.shape_cast %reduce_min3A_113 : vector<128xf32> to vector<128x1xf32>
    %eq3A_115 = vector.broadcast %broadcast_in_dim3A_114 : vector<128x1xf32> to vector<128x10240xf32>
    %eq3A_116 = arith.cmpf oeq, %get3A_111, %eq3A_115 : vector<128x10240xf32>
    %jit3A_117 = arith.constant 10240 : i32
    %broadcast_in_dim3A_118 = vector.broadcast %jit3A_117 : i32 to vector<128x10240xi32>
    %select_n3A_119 = arith.select %eq3A_116, %iota3A, %broadcast_in_dim3A_118 : vector<128x10240xi1>, vector<128x10240xi32>
    %reduce_min3A_120 = arith.constant dense<2147483647> : vector<128xi32>
    %reduce_min3A_121 = vector.multi_reduction <minsi>, %select_n3A_119, %reduce_min3A_120 [1] : vector<128x10240xi32> to vector<128xi32>
    %broadcast_in_dim3A_122 = vector.shape_cast %reduce_min3A_121 : vector<128xi32> to vector<128x1xi32>
    %swap3A_123 = arith.constant 0 : index
    %swap3A_124 = arith.constant 4 : index
    %swap3A_125 = vector.load %arg4[%swap3A_123, %swap3A_124] : memref<128x16xi32, #tpu.memory_space<vmem>>, vector<128x1xi32>
    tpu.vector_store %arg4[%swap3A_123, %swap3A_124], %broadcast_in_dim3A_122 {strides = array<i32>} : memref<128x16xi32, #tpu.memory_space<vmem>>, vector<128x1xi32>,
    %eq3A_126 = vector.broadcast %broadcast_in_dim3A_122 : vector<128x1xi32> to vector<128x10240xi32>
    %eq3A_127 = arith.cmpi eq, %iota3A, %eq3A_126 : vector<128x10240xi32>
    %jit3A_128 = arith.constant 3.000000e+30 : f32
    %broadcast_in_dim3A_129 = vector.broadcast %jit3A_128 : f32 to vector<128x10240xf32>
    %select_n3A_130 = arith.select %eq3A_127, %broadcast_in_dim3A_129, %get3A_111 : vector<128x10240xi1>, vector<128x10240xf32>
    %swap3A_131 = arith.constant 0 : index
    %swap3A_132 = arith.constant 0 : index
    %swap3A_133 = vector.load %arg5[%swap3A_131, %swap3A_132] : memref<128x10240xf32, #tpu.memory_space<vmem>>, vector<128x10240xf32>
    tpu.vector_store %arg5[%swap3A_131, %swap3A_132], %select_n3A_130 {strides = array<i32>} : memref<128x10240xf32, #tpu.memory_space<vmem>>, vector<128x10240xf32>,
    %get3A_134 = arith.constant 0 : index
    %get3A_135 = arith.constant 0 : index
    %get3A_136 = vector.load %arg5[%get3A_134, %get3A_135] : memref<128x10240xf32, #tpu.memory_space<vmem>>, vector<128x10240xf32>
    %reduce_min3A_137 = arith.constant dense<0x7F800000> : vector<128xf32>
    %reduce_min3A_138 = vector.multi_reduction <minimumf>, %get3A_136, %reduce_min3A_137 [1] : vector<128x10240xf32> to vector<128xf32>
    %broadcast_in_dim3A_139 = vector.shape_cast %reduce_min3A_138 : vector<128xf32> to vector<128x1xf32>
    %eq3A_140 = vector.broadcast %broadcast_in_dim3A_139 : vector<128x1xf32> to vector<128x10240xf32>
    %eq3A_141 = arith.cmpf oeq, %get3A_136, %eq3A_140 : vector<128x10240xf32>
    %jit3A_142 = arith.constant 10240 : i32
    %broadcast_in_dim3A_143 = vector.broadcast %jit3A_142 : i32 to vector<128x10240xi32>
    %select_n3A_144 = arith.select %eq3A_141, %iota3A, %broadcast_in_dim3A_143 : vector<128x10240xi1>, vector<128x10240xi32>
    %reduce_min3A_145 = arith.constant dense<2147483647> : vector<128xi32>
    %reduce_min3A_146 = vector.multi_reduction <minsi>, %select_n3A_144, %reduce_min3A_145 [1] : vector<128x10240xi32> to vector<128xi32>
    %broadcast_in_dim3A_147 = vector.shape_cast %reduce_min3A_146 : vector<128xi32> to vector<128x1xi32>
    %swap3A_148 = arith.constant 0 : index
    %swap3A_149 = arith.constant 5 : index
    %swap3A_150 = vector.load %arg4[%swap3A_148, %swap3A_149] : memref<128x16xi32, #tpu.memory_space<vmem>>, vector<128x1xi32>
    tpu.vector_store %arg4[%swap3A_148, %swap3A_149], %broadcast_in_dim3A_147 {strides = array<i32>} : memref<128x16xi32, #tpu.memory_space<vmem>>, vector<128x1xi32>,
    %eq3A_151 = vector.broadcast %broadcast_in_dim3A_147 : vector<128x1xi32> to vector<128x10240xi32>
    %eq3A_152 = arith.cmpi eq, %iota3A, %eq3A_151 : vector<128x10240xi32>
    %jit3A_153 = arith.constant 3.000000e+30 : f32
    %broadcast_in_dim3A_154 = vector.broadcast %jit3A_153 : f32 to vector<128x10240xf32>
    %select_n3A_155 = arith.select %eq3A_152, %broadcast_in_dim3A_154, %get3A_136 : vector<128x10240xi1>, vector<128x10240xf32>
    %swap3A_156 = arith.constant 0 : index
    %swap3A_157 = arith.constant 0 : index
    %swap3A_158 = vector.load %arg5[%swap3A_156, %swap3A_157] : memref<128x10240xf32, #tpu.memory_space<vmem>>, vector<128x10240xf32>
    tpu.vector_store %arg5[%swap3A_156, %swap3A_157], %select_n3A_155 {strides = array<i32>} : memref<128x10240xf32, #tpu.memory_space<vmem>>, vector<128x10240xf32>,
    %get3A_159 = arith.constant 0 : index
    %get3A_160 = arith.constant 0 : index
    %get3A_161 = vector.load %arg5[%get3A_159, %get3A_160] : memref<128x10240xf32, #tpu.memory_space<vmem>>, vector<128x10240xf32>
    %reduce_min3A_162 = arith.constant dense<0x7F800000> : vector<128xf32>
    %reduce_min3A_163 = vector.multi_reduction <minimumf>, %get3A_161, %reduce_min3A_162 [1] : vector<128x10240xf32> to vector<128xf32>
    %broadcast_in_dim3A_164 = vector.shape_cast %reduce_min3A_163 : vector<128xf32> to vector<128x1xf32>
    %eq3A_165 = vector.broadcast %broadcast_in_dim3A_164 : vector<128x1xf32> to vector<128x10240xf32>
    %eq3A_166 = arith.cmpf oeq, %get3A_161, %eq3A_165 : vector<128x10240xf32>
    %jit3A_167 = arith.constant 10240 : i32
    %broadcast_in_dim3A_168 = vector.broadcast %jit3A_167 : i32 to vector<128x10240xi32>
    %select_n3A_169 = arith.select %eq3A_166, %iota3A, %broadcast_in_dim3A_168 : vector<128x10240xi1>, vector<128x10240xi32>
    %reduce_min3A_170 = arith.constant dense<2147483647> : vector<128xi32>
    %reduce_min3A_171 = vector.multi_reduction <minsi>, %select_n3A_169, %reduce_min3A_170 [1] : vector<128x10240xi32> to vector<128xi32>
    %broadcast_in_dim3A_172 = vector.shape_cast %reduce_min3A_171 : vector<128xi32> to vector<128x1xi32>
    %swap3A_173 = arith.constant 0 : index
    %swap3A_174 = arith.constant 6 : index
    %swap3A_175 = vector.load %arg4[%swap3A_173, %swap3A_174] : memref<128x16xi32, #tpu.memory_space<vmem>>, vector<128x1xi32>
    tpu.vector_store %arg4[%swap3A_173, %swap3A_174], %broadcast_in_dim3A_172 {strides = array<i32>} : memref<128x16xi32, #tpu.memory_space<vmem>>, vector<128x1xi32>,
    %eq3A_176 = vector.broadcast %broadcast_in_dim3A_172 : vector<128x1xi32> to vector<128x10240xi32>
    %eq3A_177 = arith.cmpi eq, %iota3A, %eq3A_176 : vector<128x10240xi32>
    %jit3A_178 = arith.constant 3.000000e+30 : f32
    %broadcast_in_dim3A_179 = vector.broadcast %jit3A_178 : f32 to vector<128x10240xf32>
    %select_n3A_180 = arith.select %eq3A_177, %broadcast_in_dim3A_179, %get3A_161 : vector<128x10240xi1>, vector<128x10240xf32>
    %swap3A_181 = arith.constant 0 : index
    %swap3A_182 = arith.constant 0 : index
    %swap3A_183 = vector.load %arg5[%swap3A_181, %swap3A_182] : memref<128x10240xf32, #tpu.memory_space<vmem>>, vector<128x10240xf32>
    tpu.vector_store %arg5[%swap3A_181, %swap3A_182], %select_n3A_180 {strides = array<i32>} : memref<128x10240xf32, #tpu.memory_space<vmem>>, vector<128x10240xf32>,
    %get3A_184 = arith.constant 0 : index
    %get3A_185 = arith.constant 0 : index
    %get3A_186 = vector.load %arg5[%get3A_184, %get3A_185] : memref<128x10240xf32, #tpu.memory_space<vmem>>, vector<128x10240xf32>
    %reduce_min3A_187 = arith.constant dense<0x7F800000> : vector<128xf32>
    %reduce_min3A_188 = vector.multi_reduction <minimumf>, %get3A_186, %reduce_min3A_187 [1] : vector<128x10240xf32> to vector<128xf32>
    %broadcast_in_dim3A_189 = vector.shape_cast %reduce_min3A_188 : vector<128xf32> to vector<128x1xf32>
    %eq3A_190 = vector.broadcast %broadcast_in_dim3A_189 : vector<128x1xf32> to vector<128x10240xf32>
    %eq3A_191 = arith.cmpf oeq, %get3A_186, %eq3A_190 : vector<128x10240xf32>
    %jit3A_192 = arith.constant 10240 : i32
    %broadcast_in_dim3A_193 = vector.broadcast %jit3A_192 : i32 to vector<128x10240xi32>
    %select_n3A_194 = arith.select %eq3A_191, %iota3A, %broadcast_in_dim3A_193 : vector<128x10240xi1>, vector<128x10240xi32>
    %reduce_min3A_195 = arith.constant dense<2147483647> : vector<128xi32>
    %reduce_min3A_196 = vector.multi_reduction <minsi>, %select_n3A_194, %reduce_min3A_195 [1] : vector<128x10240xi32> to vector<128xi32>
    %broadcast_in_dim3A_197 = vector.shape_cast %reduce_min3A_196 : vector<128xi32> to vector<128x1xi32>
    %swap3A_198 = arith.constant 0 : index
    %swap3A_199 = arith.constant 7 : index
    %swap3A_200 = vector.load %arg4[%swap3A_198, %swap3A_199] : memref<128x16xi32, #tpu.memory_space<vmem>>, vector<128x1xi32>
    tpu.vector_store %arg4[%swap3A_198, %swap3A_199], %broadcast_in_dim3A_197 {strides = array<i32>} : memref<128x16xi32, #tpu.memory_space<vmem>>, vector<128x1xi32>,
    %eq3A_201 = vector.broadcast %broadcast_in_dim3A_197 : vector<128x1xi32> to vector<128x10240xi32>
    %eq3A_202 = arith.cmpi eq, %iota3A, %eq3A_201 : vector<128x10240xi32>
    %jit3A_203 = arith.constant 3.000000e+30 : f32
    %broadcast_in_dim3A_204 = vector.broadcast %jit3A_203 : f32 to vector<128x10240xf32>
    %select_n3A_205 = arith.select %eq3A_202, %broadcast_in_dim3A_204, %get3A_186 : vector<128x10240xi1>, vector<128x10240xf32>
    %swap3A_206 = arith.constant 0 : index
    %swap3A_207 = arith.constant 0 : index
    %swap3A_208 = vector.load %arg5[%swap3A_206, %swap3A_207] : memref<128x10240xf32, #tpu.memory_space<vmem>>, vector<128x10240xf32>
    tpu.vector_store %arg5[%swap3A_206, %swap3A_207], %select_n3A_205 {strides = array<i32>} : memref<128x10240xf32, #tpu.memory_space<vmem>>, vector<128x10240xf32>,
    %get3A_209 = arith.constant 0 : index
    %get3A_210 = arith.constant 0 : index
    %get3A_211 = vector.load %arg5[%get3A_209, %get3A_210] : memref<128x10240xf32, #tpu.memory_space<vmem>>, vector<128x10240xf32>
    %reduce_min3A_212 = arith.constant dense<0x7F800000> : vector<128xf32>
    %reduce_min3A_213 = vector.multi_reduction <minimumf>, %get3A_211, %reduce_min3A_212 [1] : vector<128x10240xf32> to vector<128xf32>
    %broadcast_in_dim3A_214 = vector.shape_cast %reduce_min3A_213 : vector<128xf32> to vector<128x1xf32>
    %eq3A_215 = vector.broadcast %broadcast_in_dim3A_214 : vector<128x1xf32> to vector<128x10240xf32>
    %eq3A_216 = arith.cmpf oeq, %get3A_211, %eq3A_215 : vector<128x10240xf32>
    %jit3A_217 = arith.constant 10240 : i32
    %broadcast_in_dim3A_218 = vector.broadcast %jit3A_217 : i32 to vector<128x10240xi32>
    %select_n3A_219 = arith.select %eq3A_216, %iota3A, %broadcast_in_dim3A_218 : vector<128x10240xi1>, vector<128x10240xi32>
    %reduce_min3A_220 = arith.constant dense<2147483647> : vector<128xi32>
    %reduce_min3A_221 = vector.multi_reduction <minsi>, %select_n3A_219, %reduce_min3A_220 [1] : vector<128x10240xi32> to vector<128xi32>
    %broadcast_in_dim3A_222 = vector.shape_cast %reduce_min3A_221 : vector<128xi32> to vector<128x1xi32>
    %swap3A_223 = arith.constant 0 : index
    %swap3A_224 = arith.constant 8 : index
    %swap3A_225 = vector.load %arg4[%swap3A_223, %swap3A_224] : memref<128x16xi32, #tpu.memory_space<vmem>>, vector<128x1xi32>
    tpu.vector_store %arg4[%swap3A_223, %swap3A_224], %broadcast_in_dim3A_222 {strides = array<i32>} : memref<128x16xi32, #tpu.memory_space<vmem>>, vector<128x1xi32>,
    %eq3A_226 = vector.broadcast %broadcast_in_dim3A_222 : vector<128x1xi32> to vector<128x10240xi32>
    %eq3A_227 = arith.cmpi eq, %iota3A, %eq3A_226 : vector<128x10240xi32>
    %jit3A_228 = arith.constant 3.000000e+30 : f32
    %broadcast_in_dim3A_229 = vector.broadcast %jit3A_228 : f32 to vector<128x10240xf32>
    %select_n3A_230 = arith.select %eq3A_227, %broadcast_in_dim3A_229, %get3A_211 : vector<128x10240xi1>, vector<128x10240xf32>
    %swap3A_231 = arith.constant 0 : index
    %swap3A_232 = arith.constant 0 : index
    %swap3A_233 = vector.load %arg5[%swap3A_231, %swap3A_232] : memref<128x10240xf32, #tpu.memory_space<vmem>>, vector<128x10240xf32>
    tpu.vector_store %arg5[%swap3A_231, %swap3A_232], %select_n3A_230 {strides = array<i32>} : memref<128x10240xf32, #tpu.memory_space<vmem>>, vector<128x10240xf32>,
    %get3A_234 = arith.constant 0 : index
    %get3A_235 = arith.constant 0 : index
    %get3A_236 = vector.load %arg5[%get3A_234, %get3A_235] : memref<128x10240xf32, #tpu.memory_space<vmem>>, vector<128x10240xf32>
    %reduce_min3A_237 = arith.constant dense<0x7F800000> : vector<128xf32>
    %reduce_min3A_238 = vector.multi_reduction <minimumf>, %get3A_236, %reduce_min3A_237 [1] : vector<128x10240xf32> to vector<128xf32>
    %broadcast_in_dim3A_239 = vector.shape_cast %reduce_min3A_238 : vector<128xf32> to vector<128x1xf32>
    %eq3A_240 = vector.broadcast %broadcast_in_dim3A_239 : vector<128x1xf32> to vector<128x10240xf32>
    %eq3A_241 = arith.cmpf oeq, %get3A_236, %eq3A_240 : vector<128x10240xf32>
    %jit3A_242 = arith.constant 10240 : i32
    %broadcast_in_dim3A_243 = vector.broadcast %jit3A_242 : i32 to vector<128x10240xi32>
    %select_n3A_244 = arith.select %eq3A_241, %iota3A, %broadcast_in_dim3A_243 : vector<128x10240xi1>, vector<128x10240xi32>
    %reduce_min3A_245 = arith.constant dense<2147483647> : vector<128xi32>
    %reduce_min3A_246 = vector.multi_reduction <minsi>, %select_n3A_244, %reduce_min3A_245 [1] : vector<128x10240xi32> to vector<128xi32>
    %broadcast_in_dim3A_247 = vector.shape_cast %reduce_min3A_246 : vector<128xi32> to vector<128x1xi32>
    %swap3A_248 = arith.constant 0 : index
    %swap3A_249 = arith.constant 9 : index
    %swap3A_250 = vector.load %arg4[%swap3A_248, %swap3A_249] : memref<128x16xi32, #tpu.memory_space<vmem>>, vector<128x1xi32>
    tpu.vector_store %arg4[%swap3A_248, %swap3A_249], %broadcast_in_dim3A_247 {strides = array<i32>} : memref<128x16xi32, #tpu.memory_space<vmem>>, vector<128x1xi32>,
    %eq3A_251 = vector.broadcast %broadcast_in_dim3A_247 : vector<128x1xi32> to vector<128x10240xi32>
    %eq3A_252 = arith.cmpi eq, %iota3A, %eq3A_251 : vector<128x10240xi32>
    %jit3A_253 = arith.constant 3.000000e+30 : f32
    %broadcast_in_dim3A_254 = vector.broadcast %jit3A_253 : f32 to vector<128x10240xf32>
    %select_n3A_255 = arith.select %eq3A_252, %broadcast_in_dim3A_254, %get3A_236 : vector<128x10240xi1>, vector<128x10240xf32>
    %swap3A_256 = arith.constant 0 : index
    %swap3A_257 = arith.constant 0 : index
    %swap3A_258 = vector.load %arg5[%swap3A_256, %swap3A_257] : memref<128x10240xf32, #tpu.memory_space<vmem>>, vector<128x10240xf32>
    tpu.vector_store %arg5[%swap3A_256, %swap3A_257], %select_n3A_255 {strides = array<i32>} : memref<128x10240xf32, #tpu.memory_space<vmem>>, vector<128x10240xf32>,
    %get3A_259 = arith.constant 0 : index
    %get3A_260 = arith.constant 0 : index
    %get3A_261 = vector.load %arg5[%get3A_259, %get3A_260] : memref<128x10240xf32, #tpu.memory_space<vmem>>, vector<128x10240xf32>
    %reduce_min3A_262 = arith.constant dense<0x7F800000> : vector<128xf32>
    %reduce_min3A_263 = vector.multi_reduction <minimumf>, %get3A_261, %reduce_min3A_262 [1] : vector<128x10240xf32> to vector<128xf32>
    %broadcast_in_dim3A_264 = vector.shape_cast %reduce_min3A_263 : vector<128xf32> to vector<128x1xf32>
    %eq3A_265 = vector.broadcast %broadcast_in_dim3A_264 : vector<128x1xf32> to vector<128x10240xf32>
    %eq3A_266 = arith.cmpf oeq, %get3A_261, %eq3A_265 : vector<128x10240xf32>
    %jit3A_267 = arith.constant 10240 : i32
    %broadcast_in_dim3A_268 = vector.broadcast %jit3A_267 : i32 to vector<128x10240xi32>
    %select_n3A_269 = arith.select %eq3A_266, %iota3A, %broadcast_in_dim3A_268 : vector<128x10240xi1>, vector<128x10240xi32>
    %reduce_min3A_270 = arith.constant dense<2147483647> : vector<128xi32>
    %reduce_min3A_271 = vector.multi_reduction <minsi>, %select_n3A_269, %reduce_min3A_270 [1] : vector<128x10240xi32> to vector<128xi32>
    %broadcast_in_dim3A_272 = vector.shape_cast %reduce_min3A_271 : vector<128xi32> to vector<128x1xi32>
    %swap3A_273 = arith.constant 0 : index
    %swap3A_274 = arith.constant 10 : index
    %swap3A_275 = vector.load %arg4[%swap3A_273, %swap3A_274] : memref<128x16xi32, #tpu.memory_space<vmem>>, vector<128x1xi32>
    tpu.vector_store %arg4[%swap3A_273, %swap3A_274], %broadcast_in_dim3A_272 {strides = array<i32>} : memref<128x16xi32, #tpu.memory_space<vmem>>, vector<128x1xi32>,
    %eq3A_276 = vector.broadcast %broadcast_in_dim3A_272 : vector<128x1xi32> to vector<128x10240xi32>
    %eq3A_277 = arith.cmpi eq, %iota3A, %eq3A_276 : vector<128x10240xi32>
    %jit3A_278 = arith.constant 3.000000e+30 : f32
    %broadcast_in_dim3A_279 = vector.broadcast %jit3A_278 : f32 to vector<128x10240xf32>
    %select_n3A_280 = arith.select %eq3A_277, %broadcast_in_dim3A_279, %get3A_261 : vector<128x10240xi1>, vector<128x10240xf32>
    %swap3A_281 = arith.constant 0 : index
    %swap3A_282 = arith.constant 0 : index
    %swap3A_283 = vector.load %arg5[%swap3A_281, %swap3A_282] : memref<128x10240xf32, #tpu.memory_space<vmem>>, vector<128x10240xf32>
    tpu.vector_store %arg5[%swap3A_281, %swap3A_282], %select_n3A_280 {strides = array<i32>} : memref<128x10240xf32, #tpu.memory_space<vmem>>, vector<128x10240xf32>,
    %get3A_284 = arith.constant 0 : index
    %get3A_285 = arith.constant 0 : index
    %get3A_286 = vector.load %arg5[%get3A_284, %get3A_285] : memref<128x10240xf32, #tpu.memory_space<vmem>>, vector<128x10240xf32>
    %reduce_min3A_287 = arith.constant dense<0x7F800000> : vector<128xf32>
    %reduce_min3A_288 = vector.multi_reduction <minimumf>, %get3A_286, %reduce_min3A_287 [1] : vector<128x10240xf32> to vector<128xf32>
    %broadcast_in_dim3A_289 = vector.shape_cast %reduce_min3A_288 : vector<128xf32> to vector<128x1xf32>
    %eq3A_290 = vector.broadcast %broadcast_in_dim3A_289 : vector<128x1xf32> to vector<128x10240xf32>
    %eq3A_291 = arith.cmpf oeq, %get3A_286, %eq3A_290 : vector<128x10240xf32>
    %jit3A_292 = arith.constant 10240 : i32
    %broadcast_in_dim3A_293 = vector.broadcast %jit3A_292 : i32 to vector<128x10240xi32>
    %select_n3A_294 = arith.select %eq3A_291, %iota3A, %broadcast_in_dim3A_293 : vector<128x10240xi1>, vector<128x10240xi32>
    %reduce_min3A_295 = arith.constant dense<2147483647> : vector<128xi32>
    %reduce_min3A_296 = vector.multi_reduction <minsi>, %select_n3A_294, %reduce_min3A_295 [1] : vector<128x10240xi32> to vector<128xi32>
    %broadcast_in_dim3A_297 = vector.shape_cast %reduce_min3A_296 : vector<128xi32> to vector<128x1xi32>
    %swap3A_298 = arith.constant 0 : index
    %swap3A_299 = arith.constant 11 : index
    %swap3A_300 = vector.load %arg4[%swap3A_298, %swap3A_299] : memref<128x16xi32, #tpu.memory_space<vmem>>, vector<128x1xi32>
    tpu.vector_store %arg4[%swap3A_298, %swap3A_299], %broadcast_in_dim3A_297 {strides = array<i32>} : memref<128x16xi32, #tpu.memory_space<vmem>>, vector<128x1xi32>,
    %eq3A_301 = vector.broadcast %broadcast_in_dim3A_297 : vector<128x1xi32> to vector<128x10240xi32>
    %eq3A_302 = arith.cmpi eq, %iota3A, %eq3A_301 : vector<128x10240xi32>
    %jit3A_303 = arith.constant 3.000000e+30 : f32
    %broadcast_in_dim3A_304 = vector.broadcast %jit3A_303 : f32 to vector<128x10240xf32>
    %select_n3A_305 = arith.select %eq3A_302, %broadcast_in_dim3A_304, %get3A_286 : vector<128x10240xi1>, vector<128x10240xf32>
    %swap3A_306 = arith.constant 0 : index
    %swap3A_307 = arith.constant 0 : index
    %swap3A_308 = vector.load %arg5[%swap3A_306, %swap3A_307] : memref<128x10240xf32, #tpu.memory_space<vmem>>, vector<128x10240xf32>
    tpu.vector_store %arg5[%swap3A_306, %swap3A_307], %select_n3A_305 {strides = array<i32>} : memref<128x10240xf32, #tpu.memory_space<vmem>>, vector<128x10240xf32>,
    %get3A_309 = arith.constant 0 : index
    %get3A_310 = arith.constant 0 : index
    %get3A_311 = vector.load %arg5[%get3A_309, %get3A_310] : memref<128x10240xf32, #tpu.memory_space<vmem>>, vector<128x10240xf32>
    %reduce_min3A_312 = arith.constant dense<0x7F800000> : vector<128xf32>
    %reduce_min3A_313 = vector.multi_reduction <minimumf>, %get3A_311, %reduce_min3A_312 [1] : vector<128x10240xf32> to vector<128xf32>
    %broadcast_in_dim3A_314 = vector.shape_cast %reduce_min3A_313 : vector<128xf32> to vector<128x1xf32>
    %eq3A_315 = vector.broadcast %broadcast_in_dim3A_314 : vector<128x1xf32> to vector<128x10240xf32>
    %eq3A_316 = arith.cmpf oeq, %get3A_311, %eq3A_315 : vector<128x10240xf32>
    %jit3A_317 = arith.constant 10240 : i32
    %broadcast_in_dim3A_318 = vector.broadcast %jit3A_317 : i32 to vector<128x10240xi32>
    %select_n3A_319 = arith.select %eq3A_316, %iota3A, %broadcast_in_dim3A_318 : vector<128x10240xi1>, vector<128x10240xi32>
    %reduce_min3A_320 = arith.constant dense<2147483647> : vector<128xi32>
    %reduce_min3A_321 = vector.multi_reduction <minsi>, %select_n3A_319, %reduce_min3A_320 [1] : vector<128x10240xi32> to vector<128xi32>
    %broadcast_in_dim3A_322 = vector.shape_cast %reduce_min3A_321 : vector<128xi32> to vector<128x1xi32>
    %swap3A_323 = arith.constant 0 : index
    %swap3A_324 = arith.constant 12 : index
    %swap3A_325 = vector.load %arg4[%swap3A_323, %swap3A_324] : memref<128x16xi32, #tpu.memory_space<vmem>>, vector<128x1xi32>
    tpu.vector_store %arg4[%swap3A_323, %swap3A_324], %broadcast_in_dim3A_322 {strides = array<i32>} : memref<128x16xi32, #tpu.memory_space<vmem>>, vector<128x1xi32>,
    %eq3A_326 = vector.broadcast %broadcast_in_dim3A_322 : vector<128x1xi32> to vector<128x10240xi32>
    %eq3A_327 = arith.cmpi eq, %iota3A, %eq3A_326 : vector<128x10240xi32>
    %jit3A_328 = arith.constant 3.000000e+30 : f32
    %broadcast_in_dim3A_329 = vector.broadcast %jit3A_328 : f32 to vector<128x10240xf32>
    %select_n3A_330 = arith.select %eq3A_327, %broadcast_in_dim3A_329, %get3A_311 : vector<128x10240xi1>, vector<128x10240xf32>
    %swap3A_331 = arith.constant 0 : index
    %swap3A_332 = arith.constant 0 : index
    %swap3A_333 = vector.load %arg5[%swap3A_331, %swap3A_332] : memref<128x10240xf32, #tpu.memory_space<vmem>>, vector<128x10240xf32>
    tpu.vector_store %arg5[%swap3A_331, %swap3A_332], %select_n3A_330 {strides = array<i32>} : memref<128x10240xf32, #tpu.memory_space<vmem>>, vector<128x10240xf32>,
    %get3A_334 = arith.constant 0 : index
    %get3A_335 = arith.constant 0 : index
    %get3A_336 = vector.load %arg5[%get3A_334, %get3A_335] : memref<128x10240xf32, #tpu.memory_space<vmem>>, vector<128x10240xf32>
    %reduce_min3A_337 = arith.constant dense<0x7F800000> : vector<128xf32>
    %reduce_min3A_338 = vector.multi_reduction <minimumf>, %get3A_336, %reduce_min3A_337 [1] : vector<128x10240xf32> to vector<128xf32>
    %broadcast_in_dim3A_339 = vector.shape_cast %reduce_min3A_338 : vector<128xf32> to vector<128x1xf32>
    %eq3A_340 = vector.broadcast %broadcast_in_dim3A_339 : vector<128x1xf32> to vector<128x10240xf32>
    %eq3A_341 = arith.cmpf oeq, %get3A_336, %eq3A_340 : vector<128x10240xf32>
    %jit3A_342 = arith.constant 10240 : i32
    %broadcast_in_dim3A_343 = vector.broadcast %jit3A_342 : i32 to vector<128x10240xi32>
    %select_n3A_344 = arith.select %eq3A_341, %iota3A, %broadcast_in_dim3A_343 : vector<128x10240xi1>, vector<128x10240xi32>
    %reduce_min3A_345 = arith.constant dense<2147483647> : vector<128xi32>
    %reduce_min3A_346 = vector.multi_reduction <minsi>, %select_n3A_344, %reduce_min3A_345 [1] : vector<128x10240xi32> to vector<128xi32>
    %broadcast_in_dim3A_347 = vector.shape_cast %reduce_min3A_346 : vector<128xi32> to vector<128x1xi32>
    %swap3A_348 = arith.constant 0 : index
    %swap3A_349 = arith.constant 13 : index
    %swap3A_350 = vector.load %arg4[%swap3A_348, %swap3A_349] : memref<128x16xi32, #tpu.memory_space<vmem>>, vector<128x1xi32>
    tpu.vector_store %arg4[%swap3A_348, %swap3A_349], %broadcast_in_dim3A_347 {strides = array<i32>} : memref<128x16xi32, #tpu.memory_space<vmem>>, vector<128x1xi32>,
    %eq3A_351 = vector.broadcast %broadcast_in_dim3A_347 : vector<128x1xi32> to vector<128x10240xi32>
    %eq3A_352 = arith.cmpi eq, %iota3A, %eq3A_351 : vector<128x10240xi32>
    %jit3A_353 = arith.constant 3.000000e+30 : f32
    %broadcast_in_dim3A_354 = vector.broadcast %jit3A_353 : f32 to vector<128x10240xf32>
    %select_n3A_355 = arith.select %eq3A_352, %broadcast_in_dim3A_354, %get3A_336 : vector<128x10240xi1>, vector<128x10240xf32>
    %swap3A_356 = arith.constant 0 : index
    %swap3A_357 = arith.constant 0 : index
    %swap3A_358 = vector.load %arg5[%swap3A_356, %swap3A_357] : memref<128x10240xf32, #tpu.memory_space<vmem>>, vector<128x10240xf32>
    tpu.vector_store %arg5[%swap3A_356, %swap3A_357], %select_n3A_355 {strides = array<i32>} : memref<128x10240xf32, #tpu.memory_space<vmem>>, vector<128x10240xf32>,
    %get3A_359 = arith.constant 0 : index
    %get3A_360 = arith.constant 0 : index
    %get3A_361 = vector.load %arg5[%get3A_359, %get3A_360] : memref<128x10240xf32, #tpu.memory_space<vmem>>, vector<128x10240xf32>
    %reduce_min3A_362 = arith.constant dense<0x7F800000> : vector<128xf32>
    %reduce_min3A_363 = vector.multi_reduction <minimumf>, %get3A_361, %reduce_min3A_362 [1] : vector<128x10240xf32> to vector<128xf32>
    %broadcast_in_dim3A_364 = vector.shape_cast %reduce_min3A_363 : vector<128xf32> to vector<128x1xf32>
    %eq3A_365 = vector.broadcast %broadcast_in_dim3A_364 : vector<128x1xf32> to vector<128x10240xf32>
    %eq3A_366 = arith.cmpf oeq, %get3A_361, %eq3A_365 : vector<128x10240xf32>
    %jit3A_367 = arith.constant 10240 : i32
    %broadcast_in_dim3A_368 = vector.broadcast %jit3A_367 : i32 to vector<128x10240xi32>
    %select_n3A_369 = arith.select %eq3A_366, %iota3A, %broadcast_in_dim3A_368 : vector<128x10240xi1>, vector<128x10240xi32>
    %reduce_min3A_370 = arith.constant dense<2147483647> : vector<128xi32>
    %reduce_min3A_371 = vector.multi_reduction <minsi>, %select_n3A_369, %reduce_min3A_370 [1] : vector<128x10240xi32> to vector<128xi32>
    %broadcast_in_dim3A_372 = vector.shape_cast %reduce_min3A_371 : vector<128xi32> to vector<128x1xi32>
    %swap3A_373 = arith.constant 0 : index
    %swap3A_374 = arith.constant 14 : index
    %swap3A_375 = vector.load %arg4[%swap3A_373, %swap3A_374] : memref<128x16xi32, #tpu.memory_space<vmem>>, vector<128x1xi32>
    tpu.vector_store %arg4[%swap3A_373, %swap3A_374], %broadcast_in_dim3A_372 {strides = array<i32>} : memref<128x16xi32, #tpu.memory_space<vmem>>, vector<128x1xi32>,
    %eq3A_376 = vector.broadcast %broadcast_in_dim3A_372 : vector<128x1xi32> to vector<128x10240xi32>
    %eq3A_377 = arith.cmpi eq, %iota3A, %eq3A_376 : vector<128x10240xi32>
    %jit3A_378 = arith.constant 3.000000e+30 : f32
    %broadcast_in_dim3A_379 = vector.broadcast %jit3A_378 : f32 to vector<128x10240xf32>
    %select_n3A_380 = arith.select %eq3A_377, %broadcast_in_dim3A_379, %get3A_361 : vector<128x10240xi1>, vector<128x10240xf32>
    %swap3A_381 = arith.constant 0 : index
    %swap3A_382 = arith.constant 0 : index
    %swap3A_383 = vector.load %arg5[%swap3A_381, %swap3A_382] : memref<128x10240xf32, #tpu.memory_space<vmem>>, vector<128x10240xf32>
    tpu.vector_store %arg5[%swap3A_381, %swap3A_382], %select_n3A_380 {strides = array<i32>} : memref<128x10240xf32, #tpu.memory_space<vmem>>, vector<128x10240xf32>,
    %get3A_384 = arith.constant 0 : index
    %get3A_385 = arith.constant 0 : index
    %get3A_386 = vector.load %arg5[%get3A_384, %get3A_385] : memref<128x10240xf32, #tpu.memory_space<vmem>>, vector<128x10240xf32>
    %reduce_min3A_387 = arith.constant dense<0x7F800000> : vector<128xf32>
    %reduce_min3A_388 = vector.multi_reduction <minimumf>, %get3A_386, %reduce_min3A_387 [1] : vector<128x10240xf32> to vector<128xf32>
    %broadcast_in_dim3A_389 = vector.shape_cast %reduce_min3A_388 : vector<128xf32> to vector<128x1xf32>
    %eq3A_390 = vector.broadcast %broadcast_in_dim3A_389 : vector<128x1xf32> to vector<128x10240xf32>
    %eq3A_391 = arith.cmpf oeq, %get3A_386, %eq3A_390 : vector<128x10240xf32>
    %jit3A_392 = arith.constant 10240 : i32
    %broadcast_in_dim3A_393 = vector.broadcast %jit3A_392 : i32 to vector<128x10240xi32>
    %select_n3A_394 = arith.select %eq3A_391, %iota3A, %broadcast_in_dim3A_393 : vector<128x10240xi1>, vector<128x10240xi32>
    %reduce_min3A_395 = arith.constant dense<2147483647> : vector<128xi32>
    %reduce_min3A_396 = vector.multi_reduction <minsi>, %select_n3A_394, %reduce_min3A_395 [1] : vector<128x10240xi32> to vector<128xi32>
    %broadcast_in_dim3A_397 = vector.shape_cast %reduce_min3A_396 : vector<128xi32> to vector<128x1xi32>
    %swap3A_398 = arith.constant 0 : index
    %swap3A_399 = arith.constant 15 : index
    %swap3A_400 = vector.load %arg4[%swap3A_398, %swap3A_399] : memref<128x16xi32, #tpu.memory_space<vmem>>, vector<128x1xi32>
    tpu.vector_store %arg4[%swap3A_398, %swap3A_399], %broadcast_in_dim3A_397 {strides = array<i32>} : memref<128x16xi32, #tpu.memory_space<vmem>>, vector<128x1xi32>,
    %eq3A_401 = vector.broadcast %broadcast_in_dim3A_397 : vector<128x1xi32> to vector<128x10240xi32>
    %eq3A_402 = arith.cmpi eq, %iota3A, %eq3A_401 : vector<128x10240xi32>
    %jit3A_403 = arith.constant 3.000000e+30 : f32
    %broadcast_in_dim3A_404 = vector.broadcast %jit3A_403 : f32 to vector<128x10240xf32>
    %select_n3A_405 = arith.select %eq3A_402, %broadcast_in_dim3A_404, %get3A_386 : vector<128x10240xi1>, vector<128x10240xf32>
    %swap3A_406 = arith.constant 0 : index
    %swap3A_407 = arith.constant 0 : index
    %swap3A_408 = vector.load %arg5[%swap3A_406, %swap3A_407] : memref<128x10240xf32, #tpu.memory_space<vmem>>, vector<128x10240xf32>
    tpu.vector_store %arg5[%swap3A_406, %swap3A_407], %select_n3A_405 {strides = array<i32>} : memref<128x10240xf32, #tpu.memory_space<vmem>>, vector<128x10240xf32>,
    return
  }
  func.func @transform_0(%arg0: i32) -> i32 {
    %c0_i32 = arith.constant 0 : i32
    return %arg0 : i32
  }
  func.func @transform_1(%arg0: i32) -> (i32, i32) {
    %c0_i32 = arith.constant 0 : i32
    %c0_i32_0 = arith.constant 0 : i32
    %c0_i32_1 = arith.constant 0 : i32
    return %c0_i32, %c0_i32_0 : i32, i32
  }
  func.func @transform_2(%arg0: i32) -> (i32, i32) {
    %c0_i32 = arith.constant 0 : i32
    %c0_i32_0 = arith.constant 0 : i32
    %c0_i32_1 = arith.constant 0 : i32
    return %c0_i32, %c0_i32_0 : i32, i32
  }
  func.func @transform_3(%arg0: i32) -> (i32, i32) {
    %c0_i32 = arith.constant 0 : i32
    %c0_i32_0 = arith.constant 0 : i32
    return %arg0, %c0_i32 : i32, i32
  }
}

module attributes {stable_mosaic.version = 14 : i64} {
  func.func @_tf_body(%arg0: i32, %arg1: memref<128x128xf32, #tpu.memory_space<vmem>>, %arg2: memref<2048x128xf32, #tpu.memory_space<vmem>>, %arg3: memref<16x2048xf32, #tpu.memory_space<vmem>>, %arg4: memref<16x2048xf32, #tpu.memory_space<vmem>>, %arg5: memref<2048x128xf32, #tpu.memory_space<vmem>>, %arg6: memref<256x4xf32, #tpu.memory_space<vmem>>, %arg7: memref<128x256xf32, #tpu.memory_space<vmem>>, %arg8: memref<128x256xf32, #tpu.memory_space<vmem>>, %arg9: memref<128x256xf32, #tpu.memory_space<vmem>>, %arg10: memref<8x256xf32, #tpu.memory_space<vmem>>, %arg11: memref<1x256xf32, #tpu.memory_space<vmem>>, %arg12: memref<256x256xf32, #tpu.memory_space<vmem>>, %arg13: memref<1x256xf32, #tpu.memory_space<vmem>>, %arg14: memref<256x256xf32, #tpu.memory_space<vmem>>, %arg15: memref<1x256xf32, #tpu.memory_space<vmem>>, %arg16: memref<128x256xf32, #tpu.memory_space<vmem>>) attributes {dimension_semantics = [#tpu.dimension_semantics<arbitrary>], iteration_bounds = array<i64: 20>, scalar_prefetch = 0 : i64, scratch_operands = 0 : i64, tpu.core_type = #tpu.core_type<tc>, window_params = [{transform_indices = @transform_0, window_bounds = array<i64: 128, 128>}, {transform_indices = @transform_1, window_bounds = array<i64: 2048, 128>}, {transform_indices = @transform_2, window_bounds = array<i64: 16, 2048>}, {transform_indices = @transform_3, window_bounds = array<i64: 16, 2048>}, {pipeline_mode = #tpu.pipeline_mode<synchronous>, transform_indices = @transform_4, window_bounds = array<i64: 2048, 128>}, {pipeline_mode = #tpu.pipeline_mode<synchronous>, transform_indices = @transform_5, window_bounds = array<i64: 256, 4>}, {pipeline_mode = #tpu.pipeline_mode<synchronous>, transform_indices = @transform_6, window_bounds = array<i64: 128, 256>}, {pipeline_mode = #tpu.pipeline_mode<synchronous>, transform_indices = @transform_7, window_bounds = array<i64: 128, 256>}, {pipeline_mode = #tpu.pipeline_mode<synchronous>, transform_indices = @transform_8, window_bounds = array<i64: 128, 256>}, {pipeline_mode = #tpu.pipeline_mode<synchronous>, transform_indices = @transform_9, window_bounds = array<i64: 8, 256>}, {pipeline_mode = #tpu.pipeline_mode<synchronous>, transform_indices = @transform_10, window_bounds = array<i64: 1, 256>}, {pipeline_mode = #tpu.pipeline_mode<synchronous>, transform_indices = @transform_11, window_bounds = array<i64: 256, 256>}, {pipeline_mode = #tpu.pipeline_mode<synchronous>, transform_indices = @transform_12, window_bounds = array<i64: 1, 256>}, {pipeline_mode = #tpu.pipeline_mode<synchronous>, transform_indices = @transform_13, window_bounds = array<i64: 256, 256>}, {pipeline_mode = #tpu.pipeline_mode<synchronous>, transform_indices = @transform_14, window_bounds = array<i64: 1, 256>}, {transform_indices = @transform_15, window_bounds = array<i64: 128, 256>}]} {
    %get3A = arith.constant 0 : index
    %get3A_0 = arith.constant 0 : index
    %get3A_1 = vector.load %arg3[%get3A, %get3A_0] : memref<16x2048xf32, #tpu.memory_space<vmem>>, vector<1x2048xf32>
    %get3A_2 = arith.constant 1 : index
    %get3A_3 = arith.constant 0 : index
    %get3A_4 = vector.load %arg3[%get3A_2, %get3A_3] : memref<16x2048xf32, #tpu.memory_space<vmem>>, vector<1x2048xf32>
    %get3A_5 = arith.constant 2 : index
    %get3A_6 = arith.constant 0 : index
    %get3A_7 = vector.load %arg3[%get3A_5, %get3A_6] : memref<16x2048xf32, #tpu.memory_space<vmem>>, vector<1x2048xf32>
    %get3A_8 = arith.constant 3 : index
    %get3A_9 = arith.constant 0 : index
    %get3A_10 = vector.load %arg3[%get3A_8, %get3A_9] : memref<16x2048xf32, #tpu.memory_space<vmem>>, vector<1x2048xf32>
    %get3A_11 = arith.constant 4 : index
    %get3A_12 = arith.constant 0 : index
    %get3A_13 = vector.load %arg3[%get3A_11, %get3A_12] : memref<16x2048xf32, #tpu.memory_space<vmem>>, vector<1x2048xf32>
    %get3A_14 = arith.constant 5 : index
    %get3A_15 = arith.constant 0 : index
    %get3A_16 = vector.load %arg3[%get3A_14, %get3A_15] : memref<16x2048xf32, #tpu.memory_space<vmem>>, vector<1x2048xf32>
    %get3A_17 = arith.constant 0 : index
    %get3A_18 = arith.constant 0 : index
    %get3A_19 = vector.load %arg4[%get3A_17, %get3A_18] : memref<16x2048xf32, #tpu.memory_space<vmem>>, vector<1x2048xf32>
    %get3A_20 = arith.constant 1 : index
    %get3A_21 = arith.constant 0 : index
    %get3A_22 = vector.load %arg4[%get3A_20, %get3A_21] : memref<16x2048xf32, #tpu.memory_space<vmem>>, vector<1x2048xf32>
    %get3A_23 = arith.constant 2 : index
    %get3A_24 = arith.constant 0 : index
    %get3A_25 = vector.load %arg4[%get3A_23, %get3A_24] : memref<16x2048xf32, #tpu.memory_space<vmem>>, vector<1x2048xf32>
    %get3A_26 = arith.constant 3 : index
    %get3A_27 = arith.constant 0 : index
    %get3A_28 = vector.load %arg4[%get3A_26, %get3A_27] : memref<16x2048xf32, #tpu.memory_space<vmem>>, vector<1x2048xf32>
    %get3A_29 = arith.constant 4 : index
    %get3A_30 = arith.constant 0 : index
    %get3A_31 = vector.load %arg4[%get3A_29, %get3A_30] : memref<16x2048xf32, #tpu.memory_space<vmem>>, vector<1x2048xf32>
    %get3A_32 = arith.constant 5 : index
    %get3A_33 = arith.constant 0 : index
    %get3A_34 = vector.load %arg4[%get3A_32, %get3A_33] : memref<16x2048xf32, #tpu.memory_space<vmem>>, vector<1x2048xf32>
    %sub3A = arith.subf %get3A_1, %get3A_19 : vector<1x2048xf32>
    %sub3A_35 = arith.subf %get3A_4, %get3A_22 : vector<1x2048xf32>
    %sub3A_36 = arith.subf %get3A_7, %get3A_25 : vector<1x2048xf32>
    %mul3A = arith.mulf %sub3A, %sub3A : vector<1x2048xf32>
    %mul3A_37 = arith.mulf %sub3A_35, %sub3A_35 : vector<1x2048xf32>
    %add3A = arith.addf %mul3A, %mul3A_37 : vector<1x2048xf32>
    %mul3A_38 = arith.mulf %sub3A_36, %sub3A_36 : vector<1x2048xf32>
    %add3A_39 = arith.addf %add3A, %mul3A_38 : vector<1x2048xf32>
    %sqrt3A = math.sqrt %add3A_39 : vector<1x2048xf32>
    %mul3A_40 = arith.mulf %get3A_31, %sub3A_36 : vector<1x2048xf32>
    %mul3A_41 = arith.mulf %get3A_34, %sub3A_35 : vector<1x2048xf32>
    %sub3A_42 = arith.subf %mul3A_40, %mul3A_41 : vector<1x2048xf32>
    %mul3A_43 = arith.mulf %get3A_34, %sub3A : vector<1x2048xf32>
    %mul3A_44 = arith.mulf %get3A_28, %sub3A_36 : vector<1x2048xf32>
    %sub3A_45 = arith.subf %mul3A_43, %mul3A_44 : vector<1x2048xf32>
    %mul3A_46 = arith.mulf %get3A_28, %sub3A_35 : vector<1x2048xf32>
    %mul3A_47 = arith.mulf %get3A_31, %sub3A : vector<1x2048xf32>
    %sub3A_48 = arith.subf %mul3A_46, %mul3A_47 : vector<1x2048xf32>
    %mul3A_49 = arith.mulf %sub3A_42, %sub3A_42 : vector<1x2048xf32>
    %mul3A_50 = arith.mulf %sub3A_45, %sub3A_45 : vector<1x2048xf32>
    %add3A_51 = arith.addf %mul3A_49, %mul3A_50 : vector<1x2048xf32>
    %mul3A_52 = arith.mulf %sub3A_48, %sub3A_48 : vector<1x2048xf32>
    %add3A_53 = arith.addf %add3A_51, %mul3A_52 : vector<1x2048xf32>
    %sqrt3A_54 = math.sqrt %add3A_53 : vector<1x2048xf32>
    %mul3A_55 = arith.mulf %get3A_28, %sub3A : vector<1x2048xf32>
    %mul3A_56 = arith.mulf %get3A_31, %sub3A_35 : vector<1x2048xf32>
    %add3A_57 = arith.addf %mul3A_55, %mul3A_56 : vector<1x2048xf32>
    %mul3A_58 = arith.mulf %get3A_34, %sub3A_36 : vector<1x2048xf32>
    %add3A_59 = arith.addf %add3A_57, %mul3A_58 : vector<1x2048xf32>
    %abs3A = math.absf %add3A_59 : vector<1x2048xf32>
    %gt3A = arith.cmpf ogt, %sqrt3A_54, %abs3A : vector<1x2048xf32>
    %select_n3A = arith.select %gt3A, %abs3A, %sqrt3A_54 : vector<1x2048xi1>, vector<1x2048xf32>
    %select_n3A_60 = arith.select %gt3A, %sqrt3A_54, %abs3A : vector<1x2048xi1>, vector<1x2048xf32>
    %add3A_61 = arith.constant 1.000000e-30 : f32
    %add3A_62 = vector.broadcast %add3A_61 : f32 to vector<1x2048xf32>
    %add3A_63 = arith.addf %select_n3A_60, %add3A_62 : vector<1x2048xf32>
    %div3A = arith.divf %select_n3A, %add3A_63 : vector<1x2048xf32>
    %mul3A_64 = arith.mulf %div3A, %div3A : vector<1x2048xf32>
    %mul3A_65 = arith.constant -1.172120e-02 : f32
    %mul3A_66 = vector.broadcast %mul3A_65 : f32 to vector<1x2048xf32>
    %mul3A_67 = arith.mulf %mul3A_66, %mul3A_64 : vector<1x2048xf32>
    %add3A_68 = arith.constant 0.0526533201 : f32
    %add3A_69 = vector.broadcast %add3A_68 : f32 to vector<1x2048xf32>
    %add3A_70 = arith.addf %mul3A_67, %add3A_69 : vector<1x2048xf32>
    %mul3A_71 = arith.mulf %add3A_70, %mul3A_64 : vector<1x2048xf32>
    %add3A_72 = arith.constant -0.116432868 : f32
    %add3A_73 = vector.broadcast %add3A_72 : f32 to vector<1x2048xf32>
    %add3A_74 = arith.addf %mul3A_71, %add3A_73 : vector<1x2048xf32>
    %mul3A_75 = arith.mulf %add3A_74, %mul3A_64 : vector<1x2048xf32>
    %add3A_76 = arith.constant 0.193543464 : f32
    %add3A_77 = vector.broadcast %add3A_76 : f32 to vector<1x2048xf32>
    %add3A_78 = arith.addf %mul3A_75, %add3A_77 : vector<1x2048xf32>
    %mul3A_79 = arith.mulf %add3A_78, %mul3A_64 : vector<1x2048xf32>
    %add3A_80 = arith.constant -0.332623482 : f32
    %add3A_81 = vector.broadcast %add3A_80 : f32 to vector<1x2048xf32>
    %add3A_82 = arith.addf %mul3A_79, %add3A_81 : vector<1x2048xf32>
    %mul3A_83 = arith.mulf %add3A_82, %mul3A_64 : vector<1x2048xf32>
    %add3A_84 = arith.constant 0.999977231 : f32
    %add3A_85 = vector.broadcast %add3A_84 : f32 to vector<1x2048xf32>
    %add3A_86 = arith.addf %mul3A_83, %add3A_85 : vector<1x2048xf32>
    %mul3A_87 = arith.mulf %div3A, %add3A_86 : vector<1x2048xf32>
    %sub3A_88 = arith.constant 1.57079637 : f32
    %sub3A_89 = vector.broadcast %sub3A_88 : f32 to vector<1x2048xf32>
    %sub3A_90 = arith.subf %sub3A_89, %mul3A_87 : vector<1x2048xf32>
    %select_n3A_91 = arith.select %gt3A, %sub3A_90, %mul3A_87 : vector<1x2048xi1>, vector<1x2048xf32>
    %lt3A = arith.constant 0.000000e+00 : f32
    %lt3A_92 = vector.broadcast %lt3A : f32 to vector<1x2048xf32>
    %lt3A_93 = arith.cmpf olt, %add3A_59, %lt3A_92 : vector<1x2048xf32>
    %sub3A_94 = arith.constant 3.14159274 : f32
    %sub3A_95 = vector.broadcast %sub3A_94 : f32 to vector<1x2048xf32>
    %sub3A_96 = arith.subf %sub3A_95, %select_n3A_91 : vector<1x2048xf32>
    %select_n3A_97 = arith.select %lt3A_93, %sub3A_96, %select_n3A_91 : vector<1x2048xi1>, vector<1x2048xf32>
    %mul3A_98 = arith.mulf %get3A_13, %sub3A_36 : vector<1x2048xf32>
    %mul3A_99 = arith.mulf %get3A_16, %sub3A_35 : vector<1x2048xf32>
    %sub3A_100 = arith.subf %mul3A_98, %mul3A_99 : vector<1x2048xf32>
    %mul3A_101 = arith.mulf %get3A_16, %sub3A : vector<1x2048xf32>
    %mul3A_102 = arith.mulf %get3A_10, %sub3A_36 : vector<1x2048xf32>
    %sub3A_103 = arith.subf %mul3A_101, %mul3A_102 : vector<1x2048xf32>
    %mul3A_104 = arith.mulf %get3A_10, %sub3A_35 : vector<1x2048xf32>
    %mul3A_105 = arith.mulf %get3A_13, %sub3A : vector<1x2048xf32>
    %sub3A_106 = arith.subf %mul3A_104, %mul3A_105 : vector<1x2048xf32>
    %mul3A_107 = arith.mulf %sub3A_100, %sub3A_100 : vector<1x2048xf32>
    %mul3A_108 = arith.mulf %sub3A_103, %sub3A_103 : vector<1x2048xf32>
    %add3A_109 = arith.addf %mul3A_107, %mul3A_108 : vector<1x2048xf32>
    %mul3A_110 = arith.mulf %sub3A_106, %sub3A_106 : vector<1x2048xf32>
    %add3A_111 = arith.addf %add3A_109, %mul3A_110 : vector<1x2048xf32>
    %sqrt3A_112 = math.sqrt %add3A_111 : vector<1x2048xf32>
    %mul3A_113 = arith.mulf %get3A_10, %sub3A : vector<1x2048xf32>
    %mul3A_114 = arith.mulf %get3A_13, %sub3A_35 : vector<1x2048xf32>
    %add3A_115 = arith.addf %mul3A_113, %mul3A_114 : vector<1x2048xf32>
    %mul3A_116 = arith.mulf %get3A_16, %sub3A_36 : vector<1x2048xf32>
    %add3A_117 = arith.addf %add3A_115, %mul3A_116 : vector<1x2048xf32>
    %abs3A_118 = math.absf %add3A_117 : vector<1x2048xf32>
    %gt3A_119 = arith.cmpf ogt, %sqrt3A_112, %abs3A_118 : vector<1x2048xf32>
    %select_n3A_120 = arith.select %gt3A_119, %abs3A_118, %sqrt3A_112 : vector<1x2048xi1>, vector<1x2048xf32>
    %select_n3A_121 = arith.select %gt3A_119, %sqrt3A_112, %abs3A_118 : vector<1x2048xi1>, vector<1x2048xf32>
    %add3A_122 = arith.constant 1.000000e-30 : f32
    %add3A_123 = vector.broadcast %add3A_122 : f32 to vector<1x2048xf32>
    %add3A_124 = arith.addf %select_n3A_121, %add3A_123 : vector<1x2048xf32>
    %div3A_125 = arith.divf %select_n3A_120, %add3A_124 : vector<1x2048xf32>
    %mul3A_126 = arith.mulf %div3A_125, %div3A_125 : vector<1x2048xf32>
    %mul3A_127 = arith.constant -1.172120e-02 : f32
    %mul3A_128 = vector.broadcast %mul3A_127 : f32 to vector<1x2048xf32>
    %mul3A_129 = arith.mulf %mul3A_128, %mul3A_126 : vector<1x2048xf32>
    %add3A_130 = arith.constant 0.0526533201 : f32
    %add3A_131 = vector.broadcast %add3A_130 : f32 to vector<1x2048xf32>
    %add3A_132 = arith.addf %mul3A_129, %add3A_131 : vector<1x2048xf32>
    %mul3A_133 = arith.mulf %add3A_132, %mul3A_126 : vector<1x2048xf32>
    %add3A_134 = arith.constant -0.116432868 : f32
    %add3A_135 = vector.broadcast %add3A_134 : f32 to vector<1x2048xf32>
    %add3A_136 = arith.addf %mul3A_133, %add3A_135 : vector<1x2048xf32>
    %mul3A_137 = arith.mulf %add3A_136, %mul3A_126 : vector<1x2048xf32>
    %add3A_138 = arith.constant 0.193543464 : f32
    %add3A_139 = vector.broadcast %add3A_138 : f32 to vector<1x2048xf32>
    %add3A_140 = arith.addf %mul3A_137, %add3A_139 : vector<1x2048xf32>
    %mul3A_141 = arith.mulf %add3A_140, %mul3A_126 : vector<1x2048xf32>
    %add3A_142 = arith.constant -0.332623482 : f32
    %add3A_143 = vector.broadcast %add3A_142 : f32 to vector<1x2048xf32>
    %add3A_144 = arith.addf %mul3A_141, %add3A_143 : vector<1x2048xf32>
    %mul3A_145 = arith.mulf %add3A_144, %mul3A_126 : vector<1x2048xf32>
    %add3A_146 = arith.constant 0.999977231 : f32
    %add3A_147 = vector.broadcast %add3A_146 : f32 to vector<1x2048xf32>
    %add3A_148 = arith.addf %mul3A_145, %add3A_147 : vector<1x2048xf32>
    %mul3A_149 = arith.mulf %div3A_125, %add3A_148 : vector<1x2048xf32>
    %sub3A_150 = arith.constant 1.57079637 : f32
    %sub3A_151 = vector.broadcast %sub3A_150 : f32 to vector<1x2048xf32>
    %sub3A_152 = arith.subf %sub3A_151, %mul3A_149 : vector<1x2048xf32>
    %select_n3A_153 = arith.select %gt3A_119, %sub3A_152, %mul3A_149 : vector<1x2048xi1>, vector<1x2048xf32>
    %lt3A_154 = arith.constant 0.000000e+00 : f32
    %lt3A_155 = vector.broadcast %lt3A_154 : f32 to vector<1x2048xf32>
    %lt3A_156 = arith.cmpf olt, %add3A_117, %lt3A_155 : vector<1x2048xf32>
    %sub3A_157 = arith.constant 3.14159274 : f32
    %sub3A_158 = vector.broadcast %sub3A_157 : f32 to vector<1x2048xf32>
    %sub3A_159 = arith.subf %sub3A_158, %select_n3A_153 : vector<1x2048xf32>
    %select_n3A_160 = arith.select %lt3A_156, %sub3A_159, %select_n3A_153 : vector<1x2048xi1>, vector<1x2048xf32>
    %mul3A_161 = arith.mulf %get3A_31, %get3A_16 : vector<1x2048xf32>
    %mul3A_162 = arith.mulf %get3A_34, %get3A_13 : vector<1x2048xf32>
    %sub3A_163 = arith.subf %mul3A_161, %mul3A_162 : vector<1x2048xf32>
    %mul3A_164 = arith.mulf %get3A_34, %get3A_10 : vector<1x2048xf32>
    %mul3A_165 = arith.mulf %get3A_28, %get3A_16 : vector<1x2048xf32>
    %sub3A_166 = arith.subf %mul3A_164, %mul3A_165 : vector<1x2048xf32>
    %mul3A_167 = arith.mulf %get3A_28, %get3A_13 : vector<1x2048xf32>
    %mul3A_168 = arith.mulf %get3A_31, %get3A_10 : vector<1x2048xf32>
    %sub3A_169 = arith.subf %mul3A_167, %mul3A_168 : vector<1x2048xf32>
    %mul3A_170 = arith.mulf %sub3A_163, %sub3A_163 : vector<1x2048xf32>
    %mul3A_171 = arith.mulf %sub3A_166, %sub3A_166 : vector<1x2048xf32>
    %add3A_172 = arith.addf %mul3A_170, %mul3A_171 : vector<1x2048xf32>
    %mul3A_173 = arith.mulf %sub3A_169, %sub3A_169 : vector<1x2048xf32>
    %add3A_174 = arith.addf %add3A_172, %mul3A_173 : vector<1x2048xf32>
    %sqrt3A_175 = math.sqrt %add3A_174 : vector<1x2048xf32>
    %mul3A_176 = arith.mulf %get3A_28, %get3A_10 : vector<1x2048xf32>
    %mul3A_177 = arith.mulf %get3A_31, %get3A_13 : vector<1x2048xf32>
    %add3A_178 = arith.addf %mul3A_176, %mul3A_177 : vector<1x2048xf32>
    %mul3A_179 = arith.mulf %get3A_34, %get3A_16 : vector<1x2048xf32>
    %add3A_180 = arith.addf %add3A_178, %mul3A_179 : vector<1x2048xf32>
    %abs3A_181 = math.absf %add3A_180 : vector<1x2048xf32>
    %gt3A_182 = arith.cmpf ogt, %sqrt3A_175, %abs3A_181 : vector<1x2048xf32>
    %select_n3A_183 = arith.select %gt3A_182, %abs3A_181, %sqrt3A_175 : vector<1x2048xi1>, vector<1x2048xf32>
    %select_n3A_184 = arith.select %gt3A_182, %sqrt3A_175, %abs3A_181 : vector<1x2048xi1>, vector<1x2048xf32>
    %add3A_185 = arith.constant 1.000000e-30 : f32
    %add3A_186 = vector.broadcast %add3A_185 : f32 to vector<1x2048xf32>
    %add3A_187 = arith.addf %select_n3A_184, %add3A_186 : vector<1x2048xf32>
    %div3A_188 = arith.divf %select_n3A_183, %add3A_187 : vector<1x2048xf32>
    %mul3A_189 = arith.mulf %div3A_188, %div3A_188 : vector<1x2048xf32>
    %mul3A_190 = arith.constant -1.172120e-02 : f32
    %mul3A_191 = vector.broadcast %mul3A_190 : f32 to vector<1x2048xf32>
    %mul3A_192 = arith.mulf %mul3A_191, %mul3A_189 : vector<1x2048xf32>
    %add3A_193 = arith.constant 0.0526533201 : f32
    %add3A_194 = vector.broadcast %add3A_193 : f32 to vector<1x2048xf32>
    %add3A_195 = arith.addf %mul3A_192, %add3A_194 : vector<1x2048xf32>
    %mul3A_196 = arith.mulf %add3A_195, %mul3A_189 : vector<1x2048xf32>
    %add3A_197 = arith.constant -0.116432868 : f32
    %add3A_198 = vector.broadcast %add3A_197 : f32 to vector<1x2048xf32>
    %add3A_199 = arith.addf %mul3A_196, %add3A_198 : vector<1x2048xf32>
    %mul3A_200 = arith.mulf %add3A_199, %mul3A_189 : vector<1x2048xf32>
    %add3A_201 = arith.constant 0.193543464 : f32
    %add3A_202 = vector.broadcast %add3A_201 : f32 to vector<1x2048xf32>
    %add3A_203 = arith.addf %mul3A_200, %add3A_202 : vector<1x2048xf32>
    %mul3A_204 = arith.mulf %add3A_203, %mul3A_189 : vector<1x2048xf32>
    %add3A_205 = arith.constant -0.332623482 : f32
    %add3A_206 = vector.broadcast %add3A_205 : f32 to vector<1x2048xf32>
    %add3A_207 = arith.addf %mul3A_204, %add3A_206 : vector<1x2048xf32>
    %mul3A_208 = arith.mulf %add3A_207, %mul3A_189 : vector<1x2048xf32>
    %add3A_209 = arith.constant 0.999977231 : f32
    %add3A_210 = vector.broadcast %add3A_209 : f32 to vector<1x2048xf32>
    %add3A_211 = arith.addf %mul3A_208, %add3A_210 : vector<1x2048xf32>
    %mul3A_212 = arith.mulf %div3A_188, %add3A_211 : vector<1x2048xf32>
    %sub3A_213 = arith.constant 1.57079637 : f32
    %sub3A_214 = vector.broadcast %sub3A_213 : f32 to vector<1x2048xf32>
    %sub3A_215 = arith.subf %sub3A_214, %mul3A_212 : vector<1x2048xf32>
    %select_n3A_216 = arith.select %gt3A_182, %sub3A_215, %mul3A_212 : vector<1x2048xi1>, vector<1x2048xf32>
    %lt3A_217 = arith.constant 0.000000e+00 : f32
    %lt3A_218 = vector.broadcast %lt3A_217 : f32 to vector<1x2048xf32>
    %lt3A_219 = arith.cmpf olt, %add3A_180, %lt3A_218 : vector<1x2048xf32>
    %sub3A_220 = arith.constant 3.14159274 : f32
    %sub3A_221 = vector.broadcast %sub3A_220 : f32 to vector<1x2048xf32>
    %sub3A_222 = arith.subf %sub3A_221, %select_n3A_216 : vector<1x2048xf32>
    %select_n3A_223 = arith.select %lt3A_219, %sub3A_222, %select_n3A_216 : vector<1x2048xi1>, vector<1x2048xf32>
    %broadcast_in_dim3A = arith.constant 0.000000e+00 : f32
    %broadcast_in_dim3A_224 = vector.broadcast %broadcast_in_dim3A : f32 to vector<4x2048xf32>
    %concatenate3A = tpu.concatenate %select_n3A_97, %select_n3A_160, %select_n3A_223, %sqrt3A, %broadcast_in_dim3A_224 in 0 : vector<1x2048xf32>, vector<1x2048xf32>, vector<1x2048xf32>, vector<1x2048xf32>, vector<4x2048xf32> -> vector<8x2048xf32>
    %get3A_225 = arith.constant 0 : index
    %get3A_226 = arith.constant 0 : index
    %get3A_227 = vector.load %arg10[%get3A_225, %get3A_226] : memref<8x256xf32, #tpu.memory_space<vmem>>, vector<8x256xf32>
    %dot_general3A = arith.constant dense<0.000000e+00> : vector<2048x256xf32>
    %dot_general3A_228 = tpu.matmul %concatenate3A, %get3A_227, %dot_general3A {dimension_numbers = #tpu.dot_dimension_numbers<[0], [0], [1], [1], [0, 1, 1, 1], [], []>, precision = #tpu.contract_precision<fp32>, transpose_lhs_hint = false} : vector<8x2048xf32>, vector<8x256xf32>, vector<2048x256xf32> -> vector<2048x256xf32>
    %get3A_229 = arith.constant 0 : index
    %get3A_230 = arith.constant 0 : index
    %get3A_231 = vector.load %arg11[%get3A_229, %get3A_230] : memref<1x256xf32, #tpu.memory_space<vmem>>, vector<1x256xf32>
    %add3A_232 = vector.broadcast %get3A_231 : vector<1x256xf32> to vector<2048x256xf32>
    %add3A_233 = arith.addf %dot_general3A_228, %add3A_232 : vector<2048x256xf32>
    %max3A = arith.constant 0.000000e+00 : f32
    %max3A_234 = vector.broadcast %max3A : f32 to vector<2048x256xf32>
    %max3A_235 = arith.maximumf %add3A_233, %max3A_234 : vector<2048x256xf32>
    %get3A_236 = arith.constant 0 : index
    %get3A_237 = arith.constant 0 : index
    %get3A_238 = vector.load %arg12[%get3A_236, %get3A_237] : memref<256x256xf32, #tpu.memory_space<vmem>>, vector<256x256xf32>
    %dot_general3A_239 = arith.constant dense<0.000000e+00> : vector<2048x256xf32>
    %dot_general3A_240 = tpu.matmul %max3A_235, %get3A_238, %dot_general3A_239 {dimension_numbers = #tpu.dot_dimension_numbers<[1], [0], [0], [1], [0, 0, 1, 1], [], []>, precision = #tpu.contract_precision<fp32>, transpose_lhs_hint = false} : vector<2048x256xf32>, vector<256x256xf32>, vector<2048x256xf32> -> vector<2048x256xf32>
    %get3A_241 = arith.constant 0 : index
    %get3A_242 = arith.constant 0 : index
    %get3A_243 = vector.load %arg13[%get3A_241, %get3A_242] : memref<1x256xf32, #tpu.memory_space<vmem>>, vector<1x256xf32>
    %add3A_244 = vector.broadcast %get3A_243 : vector<1x256xf32> to vector<2048x256xf32>
    %add3A_245 = arith.addf %dot_general3A_240, %add3A_244 : vector<2048x256xf32>
    %get3A_246 = arith.constant 0 : index
    %get3A_247 = arith.constant 0 : index
    %get3A_248 = vector.load %arg2[%get3A_246, %get3A_247] : memref<2048x128xf32, #tpu.memory_space<vmem>>, vector<2048x128xf32>
    %get3A_249 = arith.constant 0 : index
    %get3A_250 = arith.constant 0 : index
    %get3A_251 = vector.load %arg1[%get3A_249, %get3A_250] : memref<128x128xf32, #tpu.memory_space<vmem>>, vector<128x128xf32>
    %get3A_252 = arith.constant 0 : index
    %get3A_253 = arith.constant 0 : index
    %get3A_254 = vector.load %arg7[%get3A_252, %get3A_253] : memref<128x256xf32, #tpu.memory_space<vmem>>, vector<128x256xf32>
    %dot_general3A_255 = arith.constant dense<0.000000e+00> : vector<128x256xf32>
    %dot_general3A_256 = tpu.matmul %get3A_251, %get3A_254, %dot_general3A_255 {dimension_numbers = #tpu.dot_dimension_numbers<[1], [0], [0], [1], [0, 0, 1, 1], [], []>, precision = #tpu.contract_precision<fp32>, transpose_lhs_hint = false} : vector<128x128xf32>, vector<128x256xf32>, vector<128x256xf32> -> vector<128x256xf32>
    %get3A_257 = arith.constant 0 : index
    %get3A_258 = arith.constant 0 : index
    %get3A_259 = vector.load %arg8[%get3A_257, %get3A_258] : memref<128x256xf32, #tpu.memory_space<vmem>>, vector<128x256xf32>
    %dot_general3A_260 = arith.constant dense<0.000000e+00> : vector<2048x256xf32>
    %dot_general3A_261 = tpu.matmul %get3A_248, %get3A_259, %dot_general3A_260 {dimension_numbers = #tpu.dot_dimension_numbers<[1], [0], [0], [1], [0, 0, 1, 1], [], []>, precision = #tpu.contract_precision<fp32>, transpose_lhs_hint = false} : vector<2048x128xf32>, vector<128x256xf32>, vector<2048x256xf32> -> vector<2048x256xf32>
    %get3A_262 = arith.constant 0 : index
    %get3A_263 = arith.constant 0 : index
    %get3A_264 = vector.load %arg9[%get3A_262, %get3A_263] : memref<128x256xf32, #tpu.memory_space<vmem>>, vector<128x256xf32>
    %dot_general3A_265 = arith.constant dense<0.000000e+00> : vector<2048x256xf32>
    %dot_general3A_266 = tpu.matmul %get3A_248, %get3A_264, %dot_general3A_265 {dimension_numbers = #tpu.dot_dimension_numbers<[1], [0], [0], [1], [0, 0, 1, 1], [], []>, precision = #tpu.contract_precision<fp32>, transpose_lhs_hint = false} : vector<2048x128xf32>, vector<128x256xf32>, vector<2048x256xf32> -> vector<2048x256xf32>
    %add3A_267 = arith.addf %dot_general3A_261, %add3A_245 : vector<2048x256xf32>
    %add3A_268 = arith.addf %dot_general3A_266, %add3A_245 : vector<2048x256xf32>
    %get3A_269 = arith.constant 0 : index
    %get3A_270 = arith.constant 0 : index
    %get3A_271 = vector.load %arg5[%get3A_269, %get3A_270] : memref<2048x128xf32, #tpu.memory_space<vmem>>, vector<2048x128xf32>
    %dot_general3A_272 = arith.constant dense<0.000000e+00> : vector<2048x256xf32>
    %dot_general3A_273 = tpu.matmul %get3A_271, %dot_general3A_256, %dot_general3A_272 {dimension_numbers = #tpu.dot_dimension_numbers<[1], [0], [0], [1], [0, 0, 1, 1], [], []>, precision = #tpu.contract_precision<fp32>, transpose_lhs_hint = false} : vector<2048x128xf32>, vector<128x256xf32>, vector<2048x256xf32> -> vector<2048x256xf32>
    %mul3A_274 = arith.mulf %dot_general3A_273, %add3A_267 : vector<2048x256xf32>
    %get3A_275 = arith.constant 0 : index
    %get3A_276 = arith.constant 0 : index
    %get3A_277 = vector.load %arg6[%get3A_275, %get3A_276] : memref<256x4xf32, #tpu.memory_space<vmem>>, vector<256x4xf32>
    %dot_general3A_278 = arith.constant dense<0.000000e+00> : vector<2048x4xf32>
    %dot_general3A_279 = tpu.matmul %mul3A_274, %get3A_277, %dot_general3A_278 {dimension_numbers = #tpu.dot_dimension_numbers<[1], [0], [0], [1], [0, 0, 1, 1], [], []>, precision = #tpu.contract_precision<fp32>, transpose_lhs_hint = false} : vector<2048x256xf32>, vector<256x4xf32>, vector<2048x4xf32> -> vector<2048x4xf32>
    %mul3A_280 = arith.constant 1.250000e-01 : f32
    %mul3A_281 = vector.broadcast %mul3A_280 : f32 to vector<2048x4xf32>
    %mul3A_282 = arith.mulf %dot_general3A_279, %mul3A_281 : vector<2048x4xf32>
    %reshape3A = vector.shape_cast %mul3A_282 : vector<2048x4xf32> to vector<128x16x4xf32>
    %reduce_max3A = arith.constant dense<0xFF800000> : vector<128x4xf32>
    %reduce_max3A_283 = vector.multi_reduction <maximumf>, %reshape3A, %reduce_max3A [1] : vector<128x16x4xf32> to vector<128x4xf32>
    %broadcast_in_dim3A_284 = vector.shape_cast %reduce_max3A_283 : vector<128x4xf32> to vector<128x1x4xf32>
    %sub3A_285 = vector.broadcast %broadcast_in_dim3A_284 : vector<128x1x4xf32> to vector<128x16x4xf32>
    %sub3A_286 = arith.subf %reshape3A, %sub3A_285 : vector<128x16x4xf32>
    %exp3A = math.exp %sub3A_286 : vector<128x16x4xf32>
    %reduce_sum3A = arith.constant dense<0.000000e+00> : vector<128x4xf32>
    %reduce_sum3A_287 = vector.multi_reduction <add>, %exp3A, %reduce_sum3A [1] : vector<128x16x4xf32> to vector<128x4xf32>
    %broadcast_in_dim3A_288 = vector.shape_cast %reduce_sum3A_287 : vector<128x4xf32> to vector<128x1x4xf32>
    %div3A_289 = vector.broadcast %broadcast_in_dim3A_288 : vector<128x1x4xf32> to vector<128x16x4xf32>
    %div3A_290 = arith.divf %exp3A, %div3A_289 : vector<128x16x4xf32>
    %reshape3A_291 = vector.shape_cast %div3A_290 : vector<128x16x4xf32> to vector<2048x4xf32>
    %get3A_292 = arith.constant 0 : index
    %get3A_293 = arith.constant 0 : index
    %get3A_294 = vector.load %arg6[%get3A_292, %get3A_293] : memref<256x4xf32, #tpu.memory_space<vmem>>, vector<256x4xf32>
    %dot_general3A_295 = arith.constant dense<0.000000e+00> : vector<2048x256xf32>
    %dot_general3A_296 = tpu.matmul %reshape3A_291, %get3A_294, %dot_general3A_295 {dimension_numbers = #tpu.dot_dimension_numbers<[1], [1], [0], [0], [0, 0, 1, 0], [], []>, precision = #tpu.contract_precision<fp32>, transpose_lhs_hint = false} : vector<2048x4xf32>, vector<256x4xf32>, vector<2048x256xf32> -> vector<2048x256xf32>
    %mul3A_297 = arith.mulf %dot_general3A_296, %add3A_268 : vector<2048x256xf32>
    %reshape3A_298 = vector.shape_cast %mul3A_297 : vector<2048x256xf32> to vector<128x16x256xf32>
    %reduce_sum3A_299 = arith.constant dense<0.000000e+00> : vector<128x256xf32>
    %reduce_sum3A_300 = vector.multi_reduction <add>, %reshape3A_298, %reduce_sum3A_299 [1] : vector<128x16x256xf32> to vector<128x256xf32>
    %get3A_301 = arith.constant 0 : index
    %get3A_302 = arith.constant 0 : index
    %get3A_303 = vector.load %arg14[%get3A_301, %get3A_302] : memref<256x256xf32, #tpu.memory_space<vmem>>, vector<256x256xf32>
    %dot_general3A_304 = arith.constant dense<0.000000e+00> : vector<128x256xf32>
    %dot_general3A_305 = tpu.matmul %reduce_sum3A_300, %get3A_303, %dot_general3A_304 {dimension_numbers = #tpu.dot_dimension_numbers<[1], [0], [0], [1], [0, 0, 1, 1], [], []>, precision = #tpu.contract_precision<fp32>, transpose_lhs_hint = false} : vector<128x256xf32>, vector<256x256xf32>, vector<128x256xf32> -> vector<128x256xf32>
    %get3A_306 = arith.constant 0 : index
    %get3A_307 = arith.constant 0 : index
    %get3A_308 = vector.load %arg15[%get3A_306, %get3A_307] : memref<1x256xf32, #tpu.memory_space<vmem>>, vector<1x256xf32>
    %add3A_309 = vector.broadcast %get3A_308 : vector<1x256xf32> to vector<128x256xf32>
    %add3A_310 = arith.addf %dot_general3A_305, %add3A_309 : vector<128x256xf32>
    %swap3A = arith.constant 0 : index
    %swap3A_311 = arith.constant 0 : index
    %swap3A_312 = vector.load %arg16[%swap3A, %swap3A_311] : memref<128x256xf32, #tpu.memory_space<vmem>>, vector<128x256xf32>
    tpu.vector_store %arg16[%swap3A, %swap3A_311], %add3A_310 {strides = array<i32>} : memref<128x256xf32, #tpu.memory_space<vmem>>, vector<128x256xf32>,
    return
  }
  func.func @transform_0(%arg0: i32) -> (i32, i32) {
    %c0_i32 = arith.constant 0 : i32
    %c0_i32_0 = arith.constant 0 : i32
    return %arg0, %c0_i32 : i32, i32
  }
  func.func @transform_1(%arg0: i32) -> (i32, i32) {
    %c0_i32 = arith.constant 0 : i32
    %c0_i32_0 = arith.constant 0 : i32
    return %arg0, %c0_i32 : i32, i32
  }
  func.func @transform_2(%arg0: i32) -> (i32, i32) {
    %c0_i32 = arith.constant 0 : i32
    %c0_i32_0 = arith.constant 0 : i32
    return %c0_i32, %arg0 : i32, i32
  }
  func.func @transform_3(%arg0: i32) -> (i32, i32) {
    %c0_i32 = arith.constant 0 : i32
    %c0_i32_0 = arith.constant 0 : i32
    return %c0_i32, %arg0 : i32, i32
  }
  func.func @transform_4(%arg0: i32) -> (i32, i32) {
    %c0_i32 = arith.constant 0 : i32
    %c0_i32_0 = arith.constant 0 : i32
    %c0_i32_1 = arith.constant 0 : i32
    return %c0_i32, %c0_i32_0 : i32, i32
  }
  func.func @transform_5(%arg0: i32) -> (i32, i32) {
    %c0_i32 = arith.constant 0 : i32
    %c0_i32_0 = arith.constant 0 : i32
    %c0_i32_1 = arith.constant 0 : i32
    return %c0_i32, %c0_i32_0 : i32, i32
  }
  func.func @transform_6(%arg0: i32) -> (i32, i32) {
    %c0_i32 = arith.constant 0 : i32
    %c0_i32_0 = arith.constant 0 : i32
    %c0_i32_1 = arith.constant 0 : i32
    return %c0_i32, %c0_i32_0 : i32, i32
  }
  func.func @transform_7(%arg0: i32) -> (i32, i32) {
    %c0_i32 = arith.constant 0 : i32
    %c0_i32_0 = arith.constant 0 : i32
    %c0_i32_1 = arith.constant 0 : i32
    return %c0_i32, %c0_i32_0 : i32, i32
  }
  func.func @transform_8(%arg0: i32) -> (i32, i32) {
    %c0_i32 = arith.constant 0 : i32
    %c0_i32_0 = arith.constant 0 : i32
    %c0_i32_1 = arith.constant 0 : i32
    return %c0_i32, %c0_i32_0 : i32, i32
  }
  func.func @transform_9(%arg0: i32) -> (i32, i32) {
    %c0_i32 = arith.constant 0 : i32
    %c0_i32_0 = arith.constant 0 : i32
    %c0_i32_1 = arith.constant 0 : i32
    return %c0_i32, %c0_i32_0 : i32, i32
  }
  func.func @transform_10(%arg0: i32) -> (i32, i32) {
    %c0_i32 = arith.constant 0 : i32
    %c0_i32_0 = arith.constant 0 : i32
    %c0_i32_1 = arith.constant 0 : i32
    return %c0_i32, %c0_i32_0 : i32, i32
  }
  func.func @transform_11(%arg0: i32) -> (i32, i32) {
    %c0_i32 = arith.constant 0 : i32
    %c0_i32_0 = arith.constant 0 : i32
    %c0_i32_1 = arith.constant 0 : i32
    return %c0_i32, %c0_i32_0 : i32, i32
  }
  func.func @transform_12(%arg0: i32) -> (i32, i32) {
    %c0_i32 = arith.constant 0 : i32
    %c0_i32_0 = arith.constant 0 : i32
    %c0_i32_1 = arith.constant 0 : i32
    return %c0_i32, %c0_i32_0 : i32, i32
  }
  func.func @transform_13(%arg0: i32) -> (i32, i32) {
    %c0_i32 = arith.constant 0 : i32
    %c0_i32_0 = arith.constant 0 : i32
    %c0_i32_1 = arith.constant 0 : i32
    return %c0_i32, %c0_i32_0 : i32, i32
  }
  func.func @transform_14(%arg0: i32) -> (i32, i32) {
    %c0_i32 = arith.constant 0 : i32
    %c0_i32_0 = arith.constant 0 : i32
    %c0_i32_1 = arith.constant 0 : i32
    return %c0_i32, %c0_i32_0 : i32, i32
  }
  func.func @transform_15(%arg0: i32) -> (i32, i32) {
    %c0_i32 = arith.constant 0 : i32
    %c0_i32_0 = arith.constant 0 : i32
    return %arg0, %c0_i32 : i32, i32
  }
}

</mosaic_0001>

<sc_bundles>
// kernel: kernel.6.cloned.1.call-start
scs
__scs_entry_jumppad:
0x0: {  	(pc) =	sbr.rel $0x88, $3  }
0x1: {  	(tag) =	ssettag $0x0;
	lr =	simm.s32 $0x1  }
0x2: {  	[smem:$0x3F94] =	sst lr;
	_ =	strace $0xD0000000  }
0x3: {  	_ = 	snop  }
0x4: {  	_ = 	snop  }
0x5: {  	_ = 	snop  }
0x6: {  	_ = 	snop  }
0x7: {  	_ = 	snop  }
__scs_overlays_trampoline_lowered:
0x8: {  	[smem:$0x3FA3] =	sst s0  }
0x9: {  	[smem:$0x3FA4] =	sst s1  }
0xa: {  	[smem:$0x3FA5] =	sst s2  }
0xb: {  	[smem:$0x3FA6] =	sst s3  }
0xc: {  	[smem:$0x3FA7] =	sst s4  }
0xd: {  	[smem:$0x3FA8] =	sst s5  }
0xe: {  	[smem:$0x3FA9] =	sst s6  }
0xf: {  	[smem:$0x3FAA] =	sst s7  }
0x10: {  	[smem:$0x3FAB] =	sst s8  }
0x11: {  	[smem:$0x3FAC] =	sst s9;
	s0 =	simm.s32 @!p0 $0x0  }
0x12: {  	s1 =	sld [smem:$0x3F92];
	s0 =	simm.s32 @p0 $0x1  }
0x13: {  	[smem:$0x3FAD] =	sst s0;
	s0 =	simm.s32 @!p1 $0x0  }
0x14: {  	s2 =	sld [smem:$0x3F91];
	s0 =	simm.s32 @p1 $0x1  }
0x15: {  	[smem:$0x3FAE] =	sst s0;
	s0 =	simm.s32 @!p2 $0x0  }
0x16: {  	s3 =	sld [smem:$0x3FDB];
	s0 =	simm.s32 @p2 $0x1  }
0x17: {  	s4 =	simm.s32 $0x1BF5;
	[smem:$0x3FB0] =	sst s0  }
0x18: {  	s0 =	sld [smem:$0x3F93];
	_ =	swait.ge [sflag:s4], $0x0  }
0x19: {  	s7 =	sld [smem:$0x3F94]  }
0x1a: {  	s8 =	sadd.s32 $0xFFFFE003, lr  }
0x1b: {  	s9 =	sadd.s32 $0xFFFFFEF7, lr;
	s5 =	simm.s32 $0xFFFFFFFF;
	p2 =	slt.u32 s8, $0xFFFFF086  }
0x1c: {  	p1 =	slt.u32 s9, $0xF7A;
	s5 =	simm.s32 @!p2 $0x0  }
0x1d: {  	s5 =	simm.s32 @p1 $0x1;
	p0 =	seq.s32 s7, s2  }
0x1e: {  	s7 =	smul.u32 @!p0 $0xF7A, s2;
	p2 =	seq.s32 @!p0 s5, $0x0  }
0x1f: {  	s9 =	smul.u32 $0xF7A, s1;
	s8 =	simm.s32 @!p0 $0x1BF5;
	p2 =	por !p2, p0  }
0x20: {  	[sflag:s8] =	ssyncset.s32 @!p0 $0xFFFFF086;
	s6 =	sadd.s32 @!p0 s3, s7;
	s7 =	simm.s32 @!p0 $0x108  }
0x21: {  	s3 =	sadd.s32 s3, s9;
	s6 =	sadd.s32 @!p0 $0x88, s6;
	s7 =	simm.s32 @p2 $0x1082  }
0x22: {  	[simem:s7], [sflag:s8] =	dma.local @!p0 [hbm:s6], $0xF7A  }
0x23: {  	s9 =	sor.u32 $0xD0000000, s2;
	s6 =	simm.s32 $0x108;
	_ =	swait.ge @!p0 [sflag:s8], $0x0  }
0x24: {  	s3 =	sadd.s32 $0x88, s3;
	s6 =	simm.s32 @!p1 $0x1082;
	[sflag:s4] =	ssyncset.s32 $0xFFFFF086  }
0x25: {  	[simem:s6], [sflag:s4] =	dma.local [hbm:s3], $0xF7A  }
0x26: {  	[smem:$0x3F94] =	sst s1;
	(tag) =	ssettag s2;
	_ =	strace s9  }
0x27: {  	s1 =	sld [smem:$0x3FA4]  }
0x28: {  	s2 =	sld [smem:$0x3FA5]  }
0x29: {  	s4 =	sld [smem:$0x3FA7]  }
0x2a: {  	p0 =	seq.s32 s5, $0x0;
	s5 =	sld [smem:$0x3FA8]  }
0x2b: {  	s6 =	sld [smem:$0x3FA9]  }
0x2c: {  	s7 =	sld [smem:$0x3FAA]  }
0x2d: {  	s3 =	simm.s32 $0x108;
	s8 =	sld [smem:$0x3FAB]  }
0x2e: {  	s3 =	simm.s32 @!p0 $0x1082;
	s9 =	sld [smem:$0x3FAC]  }
0x2f: {  	lr =	sadd.s32 s0, s3;
	s0 =	sld [smem:$0x3FA3]  }
0x30: {  	s3 =	sld [smem:$0x3FA6]  }
0x31: {  	[smem:$0x3FAF] =	sst s10  }
0x32: {  	s10 =	sld [smem:$0x3FAD];
	_ =	sdelay $0x3  }
0x33: {  	p0 =	seq.s32 s10, $0x1;
	s10 =	sld [smem:$0x3FAF];
	_ =	sdelay $0x3  }
0x34: {  	[smem:$0x3FAF] =	sst s10  }
0x35: {  	s10 =	sld [smem:$0x3FAE];
	_ =	sdelay $0x3  }
0x36: {  	p1 =	seq.s32 s10, $0x1;
	s10 =	sld [smem:$0x3FAF];
	_ =	sdelay $0x3  }
0x37: {  	[smem:$0x3FAF] =	sst s10  }
0x38: {  	s10 =	sld [smem:$0x3FB0]  }
0x39: {  	_ = 	snop;
	(pc) =	sbr.ind lr, $3  }
0x3a: {  	_ = 	snop  }
0x3b: {  	_ = 	snop  }
0x3c: {  	p2 =	seq.s32 s10, $0x1;
	s10 =	sld [smem:$0x3FAF]  }
0x3d: {  	_ =	shalt  }
0x3e: {  	_ =	shalt  }
0x3f: {  	_ =	shalt  }
0x40: {  	_ =	shalt  }
0x41: {  	_ =	shalt  }
0x42: {  	_ =	shalt  }
0x43: {  	_ =	shalt  }
0x44: {  	_ =	shalt  }
0x45: {  	_ =	shalt  }
0x46: {  	_ =	shalt  }
0x47: {  	_ =	shalt  }
0x48: {  	_ =	shalt  }
0x49: {  	_ =	shalt  }
0x4a: {  	_ =	shalt  }
0x4b: {  	_ =	shalt  }
0x4c: {  	_ =	shalt  }
0x4d: {  	_ =	shalt  }
0x4e: {  	_ =	shalt  }
0x4f: {  	_ =	shalt  }
0x50: {  	_ =	shalt  }
0x51: {  	_ =	shalt  }
0x52: {  	_ =	shalt  }
0x53: {  	_ =	shalt  }
0x54: {  	_ =	shalt  }
0x55: {  	_ =	shalt  }
0x56: {  	_ =	shalt  }
0x57: {  	_ =	shalt  }
0x58: {  	_ =	shalt  }
0x59: {  	_ =	shalt  }
0x5a: {  	_ =	shalt  }
0x5b: {  	_ =	shalt  }
0x5c: {  	_ =	shalt  }
0x5d: {  	_ =	shalt  }
0x5e: {  	_ =	shalt  }
0x5f: {  	_ =	shalt  }
0x60: {  	_ =	shalt  }
0x61: {  	_ =	shalt  }
0x62: {  	_ =	shalt  }
0x63: {  	_ =	shalt  }
0x64: {  	_ =	shalt  }
0x65: {  	_ =	shalt  }
0x66: {  	_ =	shalt  }
0x67: {  	_ =	shalt  }
0x68: {  	_ =	shalt  }
0x69: {  	_ =	shalt  }
0x6a: {  	_ =	shalt  }
0x6b: {  	_ =	shalt  }
0x6c: {  	_ =	shalt  }
0x6d: {  	_ =	shalt  }
0x6e: {  	_ =	shalt  }
0x6f: {  	_ =	shalt  }
0x70: {  	_ =	shalt  }
0x71: {  	_ =	shalt  }
0x72: {  	_ =	shalt  }
0x73: {  	_ =	shalt  }
0x74: {  	_ =	shalt  }
0x75: {  	_ =	shalt  }
0x76: {  	_ =	shalt  }
0x77: {  	_ =	shalt  }
0x78: {  	_ =	shalt  }
0x79: {  	_ =	shalt  }
0x7a: {  	_ =	shalt  }
0x7b: {  	_ =	shalt  }
0x7c: {  	_ =	shalt  }
0x7d: {  	_ =	shalt  }
0x7e: {  	_ =	shalt  }
0x7f: {  	_ =	shalt  }
0x80: {  	_ =	shalt  }
0x81: {  	_ =	shalt  }
0x82: {  	_ =	shalt  }
0x83: {  	_ =	shalt  }
0x84: {  	_ =	shalt  }
0x85: {  	_ =	shalt  }
0x86: {  	_ =	shalt  }
0x87: {  	_ =	shalt  }
.Lfunc_end0:
.L_simem_size_0:
called_computation_lowered:
.L_overlay_start_0:
0x88: {  	s2 =	sld [smem:$0x3FD9]  }
0x89: {  	s3 =	sld [smem:$0x3FFE];
	_ =	sdelay $0x1  }
0x8a: {  	s1 =	srdreg.scid  }
0x8b: {  	s0 =	sand.u32 $0x1, s1  }
0x8c: {  	s14 =	sshll.u32 s0, $0xA;
	s2 =	sadd.s32 s3, s2  }
0x8d: {  	s2 =	sadd.s32 s2, s14  }
0x8e: {  	[smem:$0x3FBB] =	sst s2  }
0x8f: {  	_ = 	snop  }
0x90: {  	s2 =	sld [smem:$0x3FD0];
	_ =	sdelay $0x2  }
0x91: {  	s4 =	simm.s32 $0xA;
	s5 =	simm.s32 $0x10;
	s15 =	sld [smem:$0x3FC8]  }
0x92: {  	[smem:s5], [sflag:s4] =	dma.local [hbm:s2], $0x1  }
0x93: {  	_ =	swait.eq [sflag:s4], $0x1  }
0x94: {  	[sflag:s4] =	ssyncset.done $0x0  }
0x95: {  	s16 =	sld [smem:$0x11];
	[sflag:s4] =	ssyncadd.s32 $0xFFFFFFFF  }
0x96: {  	s17 =	sld [smem:$0x15];
	(tm) =	ssettm $0x1  }
0x97: {  	s18 =	sld [smem:$0x3FFB];
	_ =	sdelay $0x3  }
0x98: {  	_ =	strace s18  }
0x99: {  	s5 =	sld [smem:$0x3FFC];
	_ =	sdelay $0x3  }
0x9a: {  	_ =	strace s5  }
0x9b: {  	s5 =	sld [smem:$0x3FFD];
	_ =	sdelay $0x3  }
0x9c: {  	_ =	strace s5  }
0x9d: {  	_ =	strace $0x8FFFFFFF  }
0x9e: {  	s19 =	sld [smem:$0x3FDB];
	_ =	sdelay $0x1  }
0x9f: {  	s6 =	simm.s32 $_scs_section_size  }
0xa0: {  	s7 =	simm.s32 $_size__tile_overlayer_lowered;
	s8 =	simm.s32 $_tile_overlayer_lowered  }
0xa1: {  	s22 =	simm.s32 $0x1BFF;
	s21 =	sshll.u32 s8, $0x1;
	s5 =	sadd.s32 s6, s19  }
0xa2: {  	s9 =	simm.s32 $0x0;
	s20 =	sshll.u32 s7, $0x1;
	s7 =	sadd.s32 s21, s5  }
0xa3: {  	[timem:s9], [sflag:s22] =	dma.local [hbm:s7], s20  }
0xa4: {  	_ =	swait.ge [sflag:s22], s20  }
0xa5: {  	s6 =	ssub.s32 $0x0, s20;
	[sflag:s22] =	ssyncset.done $0x0  }
0xa6: {  	[sflag:s22] =	ssyncadd.s32 s6;
	_ =	sdelay $0x1  }
0xa7: {  	s23 =	simm.s32 $0x1B8B  }
0xa8: {  	_ =	swait.ge [sflag:s23], $0x1  }
0xa9: {  	[sflag:s23] =	ssyncset.done $0x0  }
0xaa: {  	s25 =	simm.s32 $0x1B8E;
	s24 =	sld [smem:$0x3FFE];
	[sflag:s23] =	ssyncadd.s32 $0xFFFFFFFF  }
0xab: {  	s26 =	simm.s32 $execute0_lowered;
	[smem:$0x3FD2] =	sst s25  }
0xac: {  	s7 =	sshll.u32 s26, $0x1;
	_ =	strace $0x80000046;
	[dreg:$0x1] =	wrdreg $0xFFFFFFFF  }
0xad: {  	s28 =	simm.s32 $_size_execute0_lowered;
	s5 =	sadd.s32 s5, s7;
	[dreg:$0x0] =	wrdreg $0x0  }
0xae: {  	s7 =	sshll.u32 s28, $0x1;
	[dreg:$0x2] =	wrdreg s5  }
0xaf: {  	[dreg:$0x3] =	wrdreg s7  }
0xb0: {  	[dreg:$0x4] =	wrdreg $0xC0  }
0xb1: {  	_ =	task [dreg:s9], $0x5FFFF  }
0xb2: {  	[dreg:$0x1] =	wrdreg $0xFFFFFFFF  }
0xb3: {  	[dreg:$0x0] =	wrdreg $0x60  }
0xb4: {  	[dreg:$0x2] =	wrdreg s17  }
0xb5: {  	[dreg:$0x3] =	wrdreg s15  }
0xb6: {  	[dreg:$0x4] =	wrdreg s24  }
0xb7: {  	[dreg:$0x5] =	wrdreg s16  }
0xb8: {  	[dreg:$0x6] =	wrdreg $0x9  }
0xb9: {  	_ =	task.clear_ibuf [dreg:s9], $0x7FFFF;
	_ =	strace $0x90000046  }
0xba: {  	s29 =	simm.s32 $0x9;
	_ =	strace $0x80000048  }
0xbb: {  	_ =	swait.ge [sflag:s29], $0x1  }
0xbc: {  	[sflag:s29] =	ssyncadd.s32 $0xFFFFFFFF  }
0xbd: {  	_ =	strace $0x90000048  }
0xbe: {  	_ =	sfence  }
0xbf: {  	s30 =	sld [smem:$0x0];
	_ =	sdelay $0x2  }
0xc0: {  	s31 =	sshll.u32 s1, $0xD;
	s1 =	sshrl.u32 s1, $0x2  }
0xc1: {  	s3 =	sand.u32 $0x4000, s31;
	s1 =	sadd.s32 s1, s30  }
0xc2: {  	s0 =	sor.u32 s3, s0;
	s1 =	sshll.u32 s1, $0x11  }
0xc3: {  	s0 =	sor.u32 s1, s0  }
0xc4: {  	s0 =	sadd.s32 $0x8F2B, s0  }
0xc5: {  	[sflag:s0] =	ssyncadd.remote.s32 $0x1  }
0xc6: {  	_ =	sfence.sel $0xFFFF  }
0xc7: {  	[dreg:$0x0] =	wrdreg $0xFFFFFFFF;
	(pc) =	sbr.abs _section_cstart, $3  }
0xc8: {  	[dreg:$0x1] =	wrdreg $0xFFFFFFFF  }
0xc9: {  	_ =	task.clear_ibuf [dreg:s9], $0x2FFFF;
	_ =	strace $0x9FFFFFFF  }
0xca: {  	(tm) =	ssettm $0x7FFFFFFF  }
0xcb: {  	_ =	shalt  }
tec
execute0_lowered:
.L_overlay_start_1:
0x0: {  	(tag) =	ssettag $0x1  }
0x1: {  	s14 =	rddreg [dreg:$0x0]  }
0x2: {  	s1 =	rddreg [dreg:$0x1]  }
0x3: {  	s2 =	srdreg.scid;
	s0 =	stileid.u32  }
0x4: {  	s16 =	rddreg [dreg:$0x2];
	s17 =	sand.u32 $0x1, s2;
	s29 =	sshll.u32 s0, $0x1  }
0x5: {  	s18 =	rddreg [dreg:$0x3];
	s19 =	sor.u32 s17, s29  }
0x6: {  	s3 =	simm.s32 $0x0;
	s2 =	rddreg [dreg:$0x4];
	s4 =	smul.u32 $0xA8, s19  }
0x7: {  	[smem:$0x7FF] =	sst s3  }
0x8: {  	_ =	strace $0x80000047;
	s5 =	sadd.s32 s14, s4;
	s4 =	simm.s32 $0x2  }
0x9: {  	[tilespmem:s3], [sflag:$0x2] =	stream.linear.gather [hbm4b:s5+s3], $0x540, $0x38;
	[tilespmem:$0x15600] =	vst v63  }
0xa: {  	_ =	swait.ge [sflag:s4], $0x540  }
0xb: {  	s6 =	simm.s32 $0x2A0;
	[sflag:s4] =	ssyncset.done $0x0  }
0xc: {  	s7 =	simm.s32 $0x600;
	s8 =	simm.s32 $0x1;
	[sflag:s4] =	ssyncadd.s32 $0xFFFFFAC0  }
0xd: {  	[tilespmem:s7], [sflag:$0x1] =	stream.indirect.gather [hbm4b:s1+s6], $0x80, s3, s6, $0xb8;
	[tilespmem:$0x15600] =	vst v63  }
0xe: {  	s11 =	smul.u32 $0x5400, s19;
	_ =	swait.ge [sflag:s8], $0x15000  }
0xf: {  	s12 =	sadd.s32 $0xF7C00, s16;
	[sflag:s8] =	ssyncset.done $0x0  }
0x10: {  	s9 =	sadd.s32 s12, s11;
	[sflag:s8] =	ssyncadd.s32 $0xFFFEB000  }
0x11: {  	[hbm4b:s9+s3] =	stream.linear.scatter [tilespmem:s7], [sflag:$0x2], $0x15000, $0x38;
	[tilespmem:$0x15600] =	vst v63  }
0x12: {  	_ =	swait.ge [sflag:s4], $0x15000  }
0x13: {  	[sflag:s4] =	ssyncset.done $0x0  }
0x14: {  	s10 =	sadd.s32 $0x28A00, s16;
	[sflag:s4] =	ssyncadd.s32 $0xFFFEB000  }
0x15: {  	[tilespmem:s7], [sflag:$0x1] =	stream.indirect.gather [hbm4b:s10+s6], $0x80, s3, s6, $0xb8;
	[tilespmem:$0x15600] =	vst v63  }
0x16: {  	_ =	swait.ge [sflag:s8], $0x15000  }
0x17: {  	s13 =	sadd.s32 $0x4FC00, s16;
	[sflag:s8] =	ssyncset.done $0x0  }
0x18: {  	s11 =	sadd.s32 s13, s11;
	[sflag:s8] =	ssyncadd.s32 $0xFFFEB000  }
0x19: {  	[hbm4b:s11+s3] =	stream.linear.scatter [tilespmem:s7], [sflag:$0x2], $0x15000, $0x38;
	[tilespmem:$0x15600] =	vst v63  }
0x1a: {  	_ =	swait.ge [sflag:s4], $0x15000  }
0x1b: {  	[sflag:s4] =	ssyncset.done $0x0  }
0x1c: {  	s15 =	smul.u32 $0x2A000, s19;
	[sflag:s4] =	ssyncadd.s32 $0xFFFEB000  }
0x1d: {  	[tilespmem:s7], [sflag:$0x1] =	stream.indirect.gather [hbm4b:s1+s6], $0x80, s6, s6, $0xb8;
	[tilespmem:$0x15600] =	vst v63  }
0x1e: {  	s15 =	sshrl.u32 s15, $0x3;
	_ =	swait.ge [sflag:s8], $0x15000  }
0x1f: {  	s15 =	sadd.s32 $0x2A00, s15;
	[sflag:s8] =	ssyncset.done $0x0  }
0x20: {  	s12 =	sadd.s32 s12, s15;
	[sflag:s8] =	ssyncadd.s32 $0xFFFEB000  }
0x21: {  	[hbm4b:s12+s3] =	stream.linear.scatter [tilespmem:s7], [sflag:$0x2], $0x15000, $0x38;
	[tilespmem:$0x15600] =	vst v63  }
0x22: {  	_ =	swait.ge [sflag:s4], $0x15000  }
0x23: {  	[sflag:s4] =	ssyncset.done $0x0  }
0x24: {  	[sflag:s4] =	ssyncadd.s32 $0xFFFEB000  }
0x25: {  	[tilespmem:s7], [sflag:$0x1] =	stream.indirect.gather [hbm4b:s10+s6], $0x80, s6, s6, $0xb8;
	[tilespmem:$0x15600] =	vst v63  }
0x26: {  	_ =	swait.ge [sflag:s8], $0x15000  }
0x27: {  	[sflag:s8] =	ssyncset.done $0x0  }
0x28: {  	s13 =	sadd.s32 s13, s15;
	[sflag:s8] =	ssyncadd.s32 $0xFFFEB000  }
0x29: {  	[hbm4b:s13+s3] =	stream.linear.scatter [tilespmem:s7], [sflag:$0x2], $0x15000, $0x38;
	[tilespmem:$0x15600] =	vst v63  }
0x2a: {  	s30 =	smul.u32 $0xA, s19;
	_ =	swait.ge [sflag:s4], $0x15000  }
0x2b: {  	s20 =	ssub.s32 $0x2, s17;
	[sflag:s4] =	ssyncset.done $0x0  }
0x2c: {  	s14 =	sadd.s32 s14, s30;
	s15 =	simm.s32 $0x580;
	[sflag:s4] =	ssyncadd.s32 $0xFFFEB000  }
0x2d: {  	[tilespmem:s15], [sflag:$0x2] =	stream.linear.gather [hbm4b:s14+s3], $0x50, $0x38;
	[tilespmem:$0x15600] =	vst v63  }
0x2e: {  	s21 =	sshrl.u32 s20, $0x1;
	_ =	swait.ge [sflag:s4], $0x50  }
0x2f: {  	s16 =	sadd.s32 $0x1800, s16;
	s20 =	ssub.s32 s20, s21;
	[sflag:s4] =	ssyncset.done $0x0  }
0x30: {  	s17 =	simm.s32 $0x50;
	s31 =	smax.u32 s20, $0x1;
	[sflag:s4] =	ssyncadd.s32 $0xFFFFFFB0  }
0x31: {  	[tilespmem:s7], [sflag:$0x1] =	stream.indirect.gather [hbm4b:s16+s17], $0x80, s15, s17, $0xb8;
	[tilespmem:$0x15600] =	vst v63  }
0x32: {  	s19 =	smul.u32 $0x500, s19;
	p0 =	sne.s32 s31, $0x1;
	_ =	swait.ge [sflag:s8], $0x2800  }
.Ltmp0:
0x33: {  	[sflag:s8] =	ssyncset.done $0x0;
	(pc) =	sbr.rel @!p0 .LBB2_2-.Ltmp0, $4  }
0x34: {  	s18 =	sadd.s32 s18, s19;
	[sflag:s8] =	ssyncadd.s32 $0xFFFFD800  }
0x35: {  	[hbm4b:s18+s3] =	stream.linear.scatter [tilespmem:s7], [sflag:$0x2], $0x2800, $0x38;
	[tilespmem:$0x15600] =	vst v63  }
0x36: {  	_ =	swait.ge [sflag:s4], $0x2800  }
0x37: {  	s19 =	sadd.s32 $0xFFFFFFFF, s31;
	[sflag:s4] =	ssyncset.done $0x0  }
.LBB2_1:
0x38: {  	p0 =	sne.s32 s19, $0x1;
	s19 =	sadd.s32 $0xFFFFFFFF, s19;
	[sflag:s4] =	ssyncadd.s32 $0xFFFFD800  }
0x39: {  	[tilespmem:s3], [sflag:$0x2] =	stream.linear.gather [hbm4b:s5+s3], $0x540, $0x38;
	[tilespmem:$0x15600] =	vst v63  }
0x3a: {  	_ =	swait.ge [sflag:s4], $0x540  }
0x3b: {  	[sflag:s4] =	ssyncset.done $0x0  }
0x3c: {  	[sflag:s4] =	ssyncadd.s32 $0xFFFFFAC0  }
0x3d: {  	[tilespmem:s7], [sflag:$0x1] =	stream.indirect.gather [hbm4b:s1+s6], $0x80, s3, s6, $0xb8;
	[tilespmem:$0x15600] =	vst v63  }
0x3e: {  	_ =	swait.ge [sflag:s8], $0x15000  }
0x3f: {  	[sflag:s8] =	ssyncset.done $0x0  }
0x40: {  	[sflag:s8] =	ssyncadd.s32 $0xFFFEB000  }
0x41: {  	[hbm4b:s9+s3] =	stream.linear.scatter [tilespmem:s7], [sflag:$0x2], $0x15000, $0x38;
	[tilespmem:$0x15600] =	vst v63  }
0x42: {  	_ =	swait.ge [sflag:s4], $0x15000  }
0x43: {  	[sflag:s4] =	ssyncset.done $0x0  }
0x44: {  	[sflag:s4] =	ssyncadd.s32 $0xFFFEB000  }
0x45: {  	[tilespmem:s7], [sflag:$0x1] =	stream.indirect.gather [hbm4b:s10+s6], $0x80, s3, s6, $0xb8;
	[tilespmem:$0x15600] =	vst v63  }
0x46: {  	_ =	swait.ge [sflag:s8], $0x15000  }
0x47: {  	[sflag:s8] =	ssyncset.done $0x0  }
0x48: {  	[sflag:s8] =	ssyncadd.s32 $0xFFFEB000  }
0x49: {  	[hbm4b:s11+s3] =	stream.linear.scatter [tilespmem:s7], [sflag:$0x2], $0x15000, $0x38;
	[tilespmem:$0x15600] =	vst v63  }
0x4a: {  	_ =	swait.ge [sflag:s4], $0x15000  }
0x4b: {  	[sflag:s4] =	ssyncset.done $0x0  }
0x4c: {  	[sflag:s4] =	ssyncadd.s32 $0xFFFEB000  }
0x4d: {  	[tilespmem:s7], [sflag:$0x1] =	stream.indirect.gather [hbm4b:s1+s6], $0x80, s6, s6, $0xb8;
	[tilespmem:$0x15600] =	vst v63  }
0x4e: {  	_ =	swait.ge [sflag:s8], $0x15000  }
0x4f: {  	[sflag:s8] =	ssyncset.done $0x0  }
0x50: {  	[sflag:s8] =	ssyncadd.s32 $0xFFFEB000  }
0x51: {  	[hbm4b:s12+s3] =	stream.linear.scatter [tilespmem:s7], [sflag:$0x2], $0x15000, $0x38;
	[tilespmem:$0x15600] =	vst v63  }
0x52: {  	_ =	swait.ge [sflag:s4], $0x15000  }
0x53: {  	[sflag:s4] =	ssyncset.done $0x0  }
0x54: {  	[sflag:s4] =	ssyncadd.s32 $0xFFFEB000  }
0x55: {  	[tilespmem:s7], [sflag:$0x1] =	stream.indirect.gather [hbm4b:s10+s6], $0x80, s6, s6, $0xb8;
	[tilespmem:$0x15600] =	vst v63  }
0x56: {  	_ =	swait.ge [sflag:s8], $0x15000  }
0x57: {  	[sflag:s8] =	ssyncset.done $0x0  }
0x58: {  	[sflag:s8] =	ssyncadd.s32 $0xFFFEB000  }
0x59: {  	[hbm4b:s13+s3] =	stream.linear.scatter [tilespmem:s7], [sflag:$0x2], $0x15000, $0x38;
	[tilespmem:$0x15600] =	vst v63  }
0x5a: {  	_ =	swait.ge [sflag:s4], $0x15000  }
0x5b: {  	[sflag:s4] =	ssyncset.done $0x0  }
0x5c: {  	[sflag:s4] =	ssyncadd.s32 $0xFFFEB000  }
0x5d: {  	[tilespmem:s15], [sflag:$0x2] =	stream.linear.gather [hbm4b:s14+s3], $0x50, $0x38;
	[tilespmem:$0x15600] =	vst v63  }
0x5e: {  	_ =	swait.ge [sflag:s4], $0x50  }
0x5f: {  	[sflag:s4] =	ssyncset.done $0x0  }
0x60: {  	[sflag:s4] =	ssyncadd.s32 $0xFFFFFFB0  }
0x61: {  	[tilespmem:s7], [sflag:$0x1] =	stream.indirect.gather [hbm4b:s16+s17], $0x80, s15, s17, $0xb8;
	[tilespmem:$0x15600] =	vst v63  }
0x62: {  	_ =	swait.ge [sflag:s8], $0x2800  }
.Ltmp1:
0x63: {  	[sflag:s8] =	ssyncset.done $0x0;
	(pc) =	sbr.rel @p0 .LBB2_1-.Ltmp1, $4  }
0x64: {  	[sflag:s8] =	ssyncadd.s32 $0xFFFFD800  }
0x65: {  	[hbm4b:s18+s3] =	stream.linear.scatter [tilespmem:s7], [sflag:$0x2], $0x2800, $0x38;
	[tilespmem:$0x15600] =	vst v63  }
0x66: {  	_ =	swait.ge [sflag:s4], $0x2800  }
0x67: {  	[sflag:s4] =	ssyncset.done $0x0  }
.LBB2_2:
0x68: {  	[sflag:s4] =	ssyncadd.s32 $0xFFFFD800  }
0x69: {  	_ =	sfence.sel $0x180000  }
0x6a: {  	[bflag:$0x0] =	sbarrier.arrive $0xFFFF  }
0x6b: {  	p0 =	sne.s32 s0, $0x0;
	_ =	strace $0x90000047  }
0x6c: {  	s0 =	sadd.s32 @!p0 $0x100000, s2;
	[bflag:$0x2] =	sbarrier.arrive $0xFFFF  }
0x6d: {  	[sflag:s0] =	ssyncadd.tile.s32 @!p0 $0x1;
	_ =	shalt  }
.Lfunc_end2:
_tile_overlayer_lowered:
.L_overlay_start_2:
0x6e: {  	(tag) =	ssettag $0x2  }
0x6f: {  	s0 =	rddreg [dreg:$0x0];
	s2 =	stileid.u32  }
0x70: {  	s1 =	rddreg [dreg:$0x1];
	p0 =	sne.s32 s2, $0x0  }
0x71: {  	s3 =	rddreg [dreg:$0x2];
	[bflag:$0x3] =	sbarrier.arrive $0xFFFF;
	s2 =	simm.s32 @!p0 $0x1C02  }
0x72: {  	[timem:s3], [sflag:s2] =	dma.local @!p0 [hbm:s0], s1  }
0x73: {  	s0 =	simm.s32 @!p0 $0x2  }
0x74: {  	_ =	swait.ge @!p0 [sflag:s0], s1  }
0x75: {  	s1 =	ssub.s32 @!p0 $0x0, s1;
	[sflag:s0] =	ssyncset.done @!p0 $0x0  }
0x76: {  	[sflag:s0] =	ssyncadd.s32 @!p0 s1  }
0x77: {  	[bflag:$0x3] =	sbarrier.arrive $0xFFFF  }
0x78: {  	_ =	shalt  }

</sc_bundles>
